<compile_context>
chip_gen: v7x
topology: tpu7x:2x2x1
jax: 0.10.2.dev20260603
libtpu: 0.0.44.dev20260713+nightly
codegen_flags: <defaults>
</compile_context>

<pallas_src>
import functools

import jax
import jax.numpy as jnp
from jax import lax
from jax.experimental import pallas as pl
from jax.experimental.pallas import tpu as pltpu
from jax.experimental.pallas import tpu_sc as plsc

NC = 2
NS = 16
NW = NC * NS
K = 128


def _make_sc_scatter(N, C, n_pad, nch0, nch1):
    rpt = n_pad // NS
    zch = rpt // 8
    nchmax = max(nch0, nch1)

    mesh = plsc.VectorSubcoreMesh(core_axis_name="c", subcore_axis_name="s")

    @functools.partial(
        pl.kernel,
        mesh=mesh,
        out_type=jax.ShapeDtypeStruct((NC, n_pad, C), jnp.float32),
        scratch_types=[
            pltpu.VMEM((nchmax, K), jnp.int32),
            pltpu.VMEM((nchmax, K), jnp.int32),
            pltpu.VMEM((K, C), jnp.float32),
            pltpu.VMEM_SHARED((n_pad, C), jnp.float32),
        ],
    )
    def sc_scatter(h_hbm, src_hbm, dst_hbm, out_hbm,
                   src_v, dst_v, buf, m_sh):
        c = lax.axis_index("c")
        s = lax.axis_index("s")
        wid = c * NS + s
        nch_t = jnp.where(c == 0, nch0, nch1)

        pltpu.sync_copy(src_hbm.at[wid], src_v)
        pltpu.sync_copy(dst_hbm.at[wid], dst_v)

        @pl.loop(0, zch)
        def _(r):
            @pl.loop(0, C, step=16)
            def _(cc):
                buf.at[r, pl.ds(cc, 16)][...] = jnp.zeros((16,), jnp.float32)

        @pl.loop(0, 8)
        def _(k):
            pltpu.sync_copy(buf.at[pl.ds(0, zch)],
                            m_sh.at[pl.ds(s * rpt + k * zch, zch)])

        plsc.subcore_barrier()

        def body(j, carry):
            pltpu.sync_copy(h_hbm.at[src_v.at[j]], buf)
            pltpu.sync_copy(buf, m_sh.at[dst_v.at[j]], add=True)
            return carry

        lax.fori_loop(0, nch_t, body, 0)

        plsc.subcore_barrier()
        pltpu.sync_copy(m_sh.at[pl.ds(s * rpt, rpt)],
                        out_hbm.at[c, pl.ds(s * rpt, rpt)])

    return sc_scatter


def _gru_body(p_ref, h_ref, w_ref, wih_ref, whh_ref, bih_ref, bhh_ref, o_ref):
    C = h_ref.shape[1]
    sacc = p_ref[0] + p_ref[1]
    m = jnp.dot(sacc, w_ref[...], preferred_element_type=jnp.float32)
    gi = lax.dot_general(m, wih_ref[...], (((1,), (1,)), ((), ())),
                         preferred_element_type=jnp.float32) + bih_ref[...]
    gh = lax.dot_general(h_ref[...], whh_ref[...], (((1,), (1,)), ((), ())),
                         preferred_element_type=jnp.float32) + bhh_ref[...]
    i_r, i_z, i_n = gi[:, :C], gi[:, C:2 * C], gi[:, 2 * C:]
    h_r, h_z, h_n = gh[:, :C], gh[:, C:2 * C], gh[:, 2 * C:]
    r = jax.nn.sigmoid(i_r + h_r)
    z = jax.nn.sigmoid(i_z + h_z)
    n = jnp.tanh(i_n + r * h_n)
    o_ref[...] = (1.0 - z) * n + z * h_ref[...]


def _final_body(h_ref, wl_ref, bl_ref, wa_ref, o_ref):
    hr = jnp.maximum(h_ref[...], 0.0)
    h2 = lax.dot_general(hr, wl_ref[...], (((1,), (1,)), ((), ())),
                         preferred_element_type=jnp.float32) + bl_ref[...]
    logit = lax.dot_general(h2, wa_ref[...], (((1,), (1,)), ((), ())),
                            preferred_element_type=jnp.float32)
    mx = jnp.max(logit)
    e = jnp.exp(logit - mx)
    zsum = jnp.sum(e)
    o_ref[...] = jnp.sum(e * h2, axis=0, keepdims=True) / zsum


def kernel(x, edge_index, weight, W_ih, W_hh, b_ih, b_hh, W_lin, b_lin, W_att, b_att):
    N, C = x.shape
    E = edge_index.shape[1]
    L = weight.shape[0]

    ew = -(-E // (NW * K)) * K
    e_pad = ew * NW
    nch = ew // K
    n_pad = -(-(N + 1) // (NS * 8)) * (NS * 8)

    nch0 = (2 * nch * 73 + 50) // 100
    nch1 = 2 * nch - nch0
    nchmax = max(nch0, nch1)

    src = edge_index[0]
    dst = edge_index[1]
    if e_pad > E:
        pad = e_pad - E
        src = jnp.concatenate([src, jnp.zeros((pad,), jnp.int32)])
        dst = jnp.concatenate([dst, jnp.full((pad,), N, jnp.int32)])

    def pack(a, fill):
        e0 = NS * nch0 * K
        a0 = a[:e0].reshape(NS, nch0, K)
        a1 = a[e0:].reshape(NS, nch1, K)
        a0 = jnp.concatenate(
            [a0, jnp.full((NS, nchmax - nch0, K), fill, jnp.int32)], axis=1)
        a1 = jnp.concatenate(
            [a1, jnp.full((NS, nchmax - nch1, K), fill, jnp.int32)], axis=1)
        return jnp.concatenate([a0, a1], axis=0)

    srcr = pack(src, 0)
    dstr = pack(dst, N)

    sc_scatter = _make_sc_scatter(N, C, n_pad, nch0, nch1)

    BN = 1000
    gru = pl.pallas_call(
        _gru_body,
        grid=(N // BN,),
        in_specs=[
            pl.BlockSpec((NC, BN, C), lambda i: (0, i, 0)),
            pl.BlockSpec((BN, C), lambda i: (i, 0)),
            pl.BlockSpec((C, C), lambda i: (0, 0)),
            pl.BlockSpec((3 * C, C), lambda i: (0, 0)),
            pl.BlockSpec((3 * C, C), lambda i: (0, 0)),
            pl.BlockSpec((1, 3 * C), lambda i: (0, 0)),
            pl.BlockSpec((1, 3 * C), lambda i: (0, 0)),
        ],
        out_specs=pl.BlockSpec((BN, C), lambda i: (i, 0)),
        out_shape=jax.ShapeDtypeStruct((N, C), jnp.float32),
    )

    final = pl.pallas_call(
        _final_body,
        in_specs=[
            pl.BlockSpec((N, C), lambda: (0, 0)),
            pl.BlockSpec((C, C), lambda: (0, 0)),
            pl.BlockSpec((1, C), lambda: (0, 0)),
            pl.BlockSpec((1, C), lambda: (0, 0)),
        ],
        out_specs=pl.BlockSpec((1, C), lambda: (0, 0)),
        out_shape=jax.ShapeDtypeStruct((1, C), jnp.float32),
    )

    bih2 = b_ih.reshape(1, 3 * C)
    bhh2 = b_hh.reshape(1, 3 * C)
    bl2 = b_lin.reshape(1, C)
    del b_att

    h = x
    for i in range(L):
        p = sc_scatter(h, srcr, dstr)
        h = gru(p, h, weight[i], W_ih, W_hh, bih2, bhh2)
    return final(h, W_lin, bl2, W_att)

# --- scband reference (transcript-rebuilt; emitter-appended) ---
"""Pipeline reference for scband-ggnn-90031104459196 (READ-ONLY COPY).

The authoritative reference and input builder live on the scoring server;
editing this copy changes nothing except your own understanding.
"""

import jax, jax.numpy as jnp
import numpy as np

N = 10000
E = 320000
C = 128
L = 2


def setup_inputs(seed: int = 0) -> dict:
    key = jax.random.key(seed)
    ks = jax.random.split(key, 12)
    x = jax.random.normal(ks[0], (N, C), dtype=jnp.float32)
    edge_index = jax.random.randint(ks[1], (2, E), 0, N, dtype=jnp.int32)
    s = 1.0 / np.sqrt(C)
    weight = jax.random.uniform(ks[2], (L, C, C), minval=-s, maxval=s, dtype=jnp.float32)
    W_ih = jax.random.uniform(ks[3], (3 * C, C), minval=-s, maxval=s, dtype=jnp.float32)
    W_hh = jax.random.uniform(ks[4], (3 * C, C), minval=-s, maxval=s, dtype=jnp.float32)
    b_ih = jax.random.uniform(ks[5], (3 * C,), minval=-s, maxval=s, dtype=jnp.float32)
    b_hh = jax.random.uniform(ks[6], (3 * C,), minval=-s, maxval=s, dtype=jnp.float32)
    W_lin = jax.random.uniform(ks[7], (C, C), minval=-s, maxval=s, dtype=jnp.float32)
    b_lin = jax.random.uniform(ks[8], (C,), minval=-s, maxval=s, dtype=jnp.float32)
    W_att = jax.random.uniform(ks[9], (1, C), minval=-s, maxval=s, dtype=jnp.float32)
    b_att = jax.random.uniform(ks[10], (1,), minval=-s, maxval=s, dtype=jnp.float32)
    return {"x": x, "edge_index": edge_index, "weight": weight, "W_ih": W_ih,
            "W_hh": W_hh, "b_ih": b_ih, "b_hh": b_hh, "W_lin": W_lin,
            "b_lin": b_lin, "W_att": W_att, "b_att": b_att}


def reference(x, edge_index, weight, W_ih, W_hh, b_ih, b_hh, W_lin, b_lin, W_att, b_att):
    src = edge_index[0]
    dst = edge_index[1]
    h = x  # in_channels == out_channels, no padding needed
    for i in range(L):
        # GatedGraphConv layer i: message = (h @ W_i)[src], scatter-add at dst
        msg = (h @ weight[i])[src]
        m = jnp.zeros_like(h).at[dst].add(msg)
        # GRUCell update: h = GRU(input=m, hidden=h)
        gi = m @ W_ih.T + b_ih
        gh = h @ W_hh.T + b_hh
        i_r, i_z, i_n = jnp.split(gi, 3, axis=1)
        h_r, h_z, h_n = jnp.split(gh, 3, axis=1)
        r = jax.nn.sigmoid(i_r + h_r)
        z = jax.nn.sigmoid(i_z + h_z)
        n = jnp.tanh(i_n + r * h_n)
        h = (1.0 - z) * n + z * h
    h = jax.nn.relu(h)
    h = h @ W_lin.T + b_lin
    attn = jax.nn.softmax(h @ W_att.T + b_att, axis=0)
    out = (attn * h).sum(axis=0, keepdims=True)
    return out

if __name__ == "__main__":
    import jax
    _d = setup_inputs()
    print(jax.jit(kernel)(*tuple(_d.values())))

</pallas_src>

<mosaic_0001>
#map = affine_map<(d0, d1) -> (0, 0)>
#map1 = affine_map<(d0, d1) -> (0, 0, 0)>
module attributes {stable_mosaic.version = 14 : i64} {
  func.func @sc_scatter(%arg0: i32, %arg1: i32, %arg2: memref<10000x128xf32, #tpu.memory_space<hbm>>, %arg3: memref<32x115x128xi32, #tpu.memory_space<hbm>>, %arg4: memref<32x115x128xi32, #tpu.memory_space<hbm>>, %arg5: memref<2x10112x128xf32, #tpu.memory_space<hbm>>, %arg6: memref<115x128xi32, #tpu.memory_space<vmem>>, %arg7: memref<115x128xi32, #tpu.memory_space<vmem>>, %arg8: memref<128x128xf32, #tpu.memory_space<vmem>>, %arg9: memref<10112x128xf32, #tpu.memory_space<vmem_shared>>) attributes {dimension_semantics = [#tpu.dimension_semantics<core_parallel>, #tpu.dimension_semantics<subcore_parallel>], iteration_bounds = array<i64: 2, 16>, scalar_prefetch = 0 : i64, scratch_operands = 4 : i64, tpu.core_type = #tpu.core_type<sc_vector_subcore>, window_params = [{transform_indices = #map}, {transform_indices = #map1}, {transform_indices = #map1}, {transform_indices = #map1}]} {
    %mul3A = arith.constant 16 : i32
    %mul3A_0 = arith.muli %arg0, %mul3A : i32
    %add3A = arith.addi %mul3A_0, %arg1 : i32
    %eq3A = arith.constant 0 : i32
    %eq3A_1 = arith.cmpi eq, %arg0, %eq3A : i32
    %jit3A = arith.constant 115 : i32
    %jit3A_2 = arith.constant 43 : i32
    %select_n3A = arith.select %eq3A_1, %jit3A, %jit3A_2 : i32
    "tpu.region"() ({
      %run_scoped3A = tpu.sem_alloc : memref<!tpu.dma_semaphore, #tpu.memory_space<semaphore_mem>>
      %dma_start3A = arith.constant 0 : i32
      %dma_start3A_26 = arith.constant 0 : i32
      %dma_start3A_27 = tpu.memref_slice %arg3[%add3A, %dma_start3A, %dma_start3A_26] : memref<32x115x128xi32, #tpu.memory_space<hbm>> -> memref<1x115x128xi32, #tpu.memory_space<hbm>>
      %dma_start3A_28 = tpu.memref_squeeze %dma_start3A_27 : memref<1x115x128xi32, #tpu.memory_space<hbm>> -> memref<115x128xi32, #tpu.memory_space<hbm>>
      %dma_start3A_29 = arith.constant 0 : i32
      %dma_start3A_30 = arith.constant 0 : i32
      %dma_start3A_31 = tpu.memref_slice %arg3[%add3A, %dma_start3A_29, %dma_start3A_30] : memref<32x115x128xi32, #tpu.memory_space<hbm>> -> memref<1x115x128xi32, #tpu.memory_space<hbm>>
      %dma_start3A_32 = tpu.memref_squeeze %dma_start3A_31 : memref<1x115x128xi32, #tpu.memory_space<hbm>> -> memref<115x128xi32, #tpu.memory_space<hbm>>
      tpu.enqueue_dma source(%dma_start3A_32 : memref<115x128xi32, #tpu.memory_space<hbm>>) target(%arg6 : memref<115x128xi32, #tpu.memory_space<vmem>>) target_semaphore(%run_scoped3A : memref<!tpu.dma_semaphore, #tpu.memory_space<semaphore_mem>>)
      %dma_wait3A = arith.constant 0 : i32
      %dma_wait3A_33 = arith.constant 0 : i32
      %dma_wait3A_34 = tpu.memref_slice %arg3[%add3A, %dma_wait3A, %dma_wait3A_33] : memref<32x115x128xi32, #tpu.memory_space<hbm>> -> memref<1x115x128xi32, #tpu.memory_space<hbm>>
      %dma_wait3A_35 = tpu.memref_squeeze %dma_wait3A_34 : memref<1x115x128xi32, #tpu.memory_space<hbm>> -> memref<115x128xi32, #tpu.memory_space<hbm>>
      %dma_wait3A_36 = arith.constant 0 : i32
      %dma_wait3A_37 = arith.constant 0 : i32
      %dma_wait3A_38 = tpu.memref_slice %arg3[%add3A, %dma_wait3A_36, %dma_wait3A_37] : memref<32x115x128xi32, #tpu.memory_space<hbm>> -> memref<1x115x128xi32, #tpu.memory_space<hbm>>
      %dma_wait3A_39 = tpu.memref_squeeze %dma_wait3A_38 : memref<1x115x128xi32, #tpu.memory_space<hbm>> -> memref<115x128xi32, #tpu.memory_space<hbm>>
      tpu.wait_dma2 semaphore(%run_scoped3A : memref<!tpu.dma_semaphore, #tpu.memory_space<semaphore_mem>>) src(%dma_wait3A_39 : memref<115x128xi32, #tpu.memory_space<hbm>>) dst(%arg6 : memref<115x128xi32, #tpu.memory_space<vmem>>)
      tpu.yield
    }) : () -> ()
    "tpu.region"() ({
      %run_scoped3A = tpu.sem_alloc : memref<!tpu.dma_semaphore, #tpu.memory_space<semaphore_mem>>
      %dma_start3A = arith.constant 0 : i32
      %dma_start3A_26 = arith.constant 0 : i32
      %dma_start3A_27 = tpu.memref_slice %arg4[%add3A, %dma_start3A, %dma_start3A_26] : memref<32x115x128xi32, #tpu.memory_space<hbm>> -> memref<1x115x128xi32, #tpu.memory_space<hbm>>
      %dma_start3A_28 = tpu.memref_squeeze %dma_start3A_27 : memref<1x115x128xi32, #tpu.memory_space<hbm>> -> memref<115x128xi32, #tpu.memory_space<hbm>>
      %dma_start3A_29 = arith.constant 0 : i32
      %dma_start3A_30 = arith.constant 0 : i32
      %dma_start3A_31 = tpu.memref_slice %arg4[%add3A, %dma_start3A_29, %dma_start3A_30] : memref<32x115x128xi32, #tpu.memory_space<hbm>> -> memref<1x115x128xi32, #tpu.memory_space<hbm>>
      %dma_start3A_32 = tpu.memref_squeeze %dma_start3A_31 : memref<1x115x128xi32, #tpu.memory_space<hbm>> -> memref<115x128xi32, #tpu.memory_space<hbm>>
      tpu.enqueue_dma source(%dma_start3A_32 : memref<115x128xi32, #tpu.memory_space<hbm>>) target(%arg7 : memref<115x128xi32, #tpu.memory_space<vmem>>) target_semaphore(%run_scoped3A : memref<!tpu.dma_semaphore, #tpu.memory_space<semaphore_mem>>)
      %dma_wait3A = arith.constant 0 : i32
      %dma_wait3A_33 = arith.constant 0 : i32
      %dma_wait3A_34 = tpu.memref_slice %arg4[%add3A, %dma_wait3A, %dma_wait3A_33] : memref<32x115x128xi32, #tpu.memory_space<hbm>> -> memref<1x115x128xi32, #tpu.memory_space<hbm>>
      %dma_wait3A_35 = tpu.memref_squeeze %dma_wait3A_34 : memref<1x115x128xi32, #tpu.memory_space<hbm>> -> memref<115x128xi32, #tpu.memory_space<hbm>>
      %dma_wait3A_36 = arith.constant 0 : i32
      %dma_wait3A_37 = arith.constant 0 : i32
      %dma_wait3A_38 = tpu.memref_slice %arg4[%add3A, %dma_wait3A_36, %dma_wait3A_37] : memref<32x115x128xi32, #tpu.memory_space<hbm>> -> memref<1x115x128xi32, #tpu.memory_space<hbm>>
      %dma_wait3A_39 = tpu.memref_squeeze %dma_wait3A_38 : memref<1x115x128xi32, #tpu.memory_space<hbm>> -> memref<115x128xi32, #tpu.memory_space<hbm>>
      tpu.wait_dma2 semaphore(%run_scoped3A : memref<!tpu.dma_semaphore, #tpu.memory_space<semaphore_mem>>) src(%dma_wait3A_39 : memref<115x128xi32, #tpu.memory_space<hbm>>) dst(%arg7 : memref<115x128xi32, #tpu.memory_space<vmem>>)
      tpu.yield
    }) : () -> ()
    %scan3A = arith.constant 0 : i32
    %scan3A_3 = arith.constant 79 : i32
    %scan3A_4 = arith.addi %scan3A, %scan3A_3 : i32
    %scan3A_5 = arith.constant 1 : i32
    scf.for %scan3A_26 = %scan3A to %scan3A_4 step %scan3A_5  : i32 {
      %mul3A_27 = arith.constant 1 : i32
      %mul3A_28 = arith.muli %scan3A_26, %mul3A_27 : i32
      %add3A_29 = arith.constant 0 : i32
      %add3A_30 = arith.addi %add3A_29, %mul3A_28 : i32
      %scan3A_31 = arith.constant 0 : i32
      %scan3A_32 = arith.constant 8 : i32
      %scan3A_33 = arith.addi %scan3A_31, %scan3A_32 : i32
      %scan3A_34 = arith.constant 1 : i32
      scf.for %scan3A_36 = %scan3A_31 to %scan3A_33 step %scan3A_34  : i32 {
        %mul3A_37 = arith.constant 16 : i32
        %mul3A_38 = arith.muli %scan3A_36, %mul3A_37 : i32
        %add3A_39 = arith.constant 0 : i32
        %add3A_40 = arith.addi %add3A_39, %mul3A_38 : i32
        %broadcast_in_dim3A = arith.constant 0.000000e+00 : f32
        %broadcast_in_dim3A_41 = vector.broadcast %broadcast_in_dim3A : f32 to vector<16xf32>
        %swap3A = arith.index_cast %add3A_30 : i32 to index
        %swap3A_42 = arith.index_cast %add3A_40 : i32 to index
        %swap3A_43 = tpu.vector_load %arg8[%swap3A, %swap3A_42] {strides = array<i32>} : memref<128x128xf32, #tpu.memory_space<vmem>>, vector<1x16xf32>,
        %swap3A_44 = vector.shape_cast %swap3A_43 : vector<1x16xf32> to vector<16xf32>
        %swap3A_45 = vector.shape_cast %broadcast_in_dim3A_41 : vector<16xf32> to vector<1x16xf32>
        tpu.vector_store %arg8[%swap3A, %swap3A_42], %swap3A_45 {strides = array<i32>} : memref<128x128xf32, #tpu.memory_space<vmem>>, vector<1x16xf32>,
      }
      %scan3A_35 = arith.constant 8 : i32
    }
    %scan3A_6 = arith.constant 79 : i32
    %scan3A_7 = arith.constant 0 : i32
    %scan3A_8 = arith.constant 8 : i32
    %scan3A_9 = arith.addi %scan3A_7, %scan3A_8 : i32
    %scan3A_10 = arith.constant 1 : i32
    scf.for %scan3A_26 = %scan3A_7 to %scan3A_9 step %scan3A_10  : i32 {
      %mul3A_27 = arith.constant 1 : i32
      %mul3A_28 = arith.muli %scan3A_26, %mul3A_27 : i32
      %add3A_29 = arith.constant 0 : i32
      %add3A_30 = arith.addi %add3A_29, %mul3A_28 : i32
      %mul3A_31 = arith.constant 632 : i32
      %mul3A_32 = arith.muli %arg1, %mul3A_31 : i32
      %mul3A_33 = arith.constant 79 : i32
      %mul3A_34 = arith.muli %add3A_30, %mul3A_33 : i32
      %add3A_35 = arith.addi %mul3A_32, %mul3A_34 : i32
      "tpu.region"() ({
        %run_scoped3A = tpu.sem_alloc : memref<!tpu.dma_semaphore, #tpu.memory_space<semaphore_mem>>
        %dma_start3A = arith.constant 0 : i32
        %dma_start3A_36 = arith.constant 0 : i32
        %dma_start3A_37 = tpu.memref_slice %arg8[%dma_start3A, %dma_start3A_36] : memref<128x128xf32, #tpu.memory_space<vmem>> -> memref<79x128xf32, #tpu.memory_space<vmem>>
        %dma_start3A_38 = arith.constant 0 : i32
        %dma_start3A_39 = tpu.memref_slice %arg9[%add3A_35, %dma_start3A_38] : memref<10112x128xf32, #tpu.memory_space<vmem_shared>> -> memref<79x128xf32, #tpu.memory_space<vmem_shared>>
        %dma_start3A_40 = arith.constant 0 : i32
        %dma_start3A_41 = tpu.memref_slice %arg9[%add3A_35, %dma_start3A_40] : memref<10112x128xf32, #tpu.memory_space<vmem_shared>> -> memref<79x128xf32, #tpu.memory_space<vmem_shared>>
        %dma_start3A_42 = arith.constant 0 : i32
        %dma_start3A_43 = arith.constant 0 : i32
        %dma_start3A_44 = tpu.memref_slice %arg8[%dma_start3A_42, %dma_start3A_43] : memref<128x128xf32, #tpu.memory_space<vmem>> -> memref<79x128xf32, #tpu.memory_space<vmem>>
        tpu.enqueue_dma source(%dma_start3A_44 : memref<79x128xf32, #tpu.memory_space<vmem>>) target(%dma_start3A_41 : memref<79x128xf32, #tpu.memory_space<vmem_shared>>) target_semaphore(%run_scoped3A : memref<!tpu.dma_semaphore, #tpu.memory_space<semaphore_mem>>)
        %dma_wait3A = arith.constant 0 : i32
        %dma_wait3A_45 = arith.constant 0 : i32
        %dma_wait3A_46 = tpu.memref_slice %arg8[%dma_wait3A, %dma_wait3A_45] : memref<128x128xf32, #tpu.memory_space<vmem>> -> memref<79x128xf32, #tpu.memory_space<vmem>>
        %dma_wait3A_47 = arith.constant 0 : i32
        %dma_wait3A_48 = tpu.memref_slice %arg9[%add3A_35, %dma_wait3A_47] : memref<10112x128xf32, #tpu.memory_space<vmem_shared>> -> memref<79x128xf32, #tpu.memory_space<vmem_shared>>
        %dma_wait3A_49 = arith.constant 0 : i32
        %dma_wait3A_50 = tpu.memref_slice %arg9[%add3A_35, %dma_wait3A_49] : memref<10112x128xf32, #tpu.memory_space<vmem_shared>> -> memref<79x128xf32, #tpu.memory_space<vmem_shared>>
        %dma_wait3A_51 = arith.constant 0 : i32
        %dma_wait3A_52 = arith.constant 0 : i32
        %dma_wait3A_53 = tpu.memref_slice %arg8[%dma_wait3A_51, %dma_wait3A_52] : memref<128x128xf32, #tpu.memory_space<vmem>> -> memref<79x128xf32, #tpu.memory_space<vmem>>
        tpu.wait_dma2 semaphore(%run_scoped3A : memref<!tpu.dma_semaphore, #tpu.memory_space<semaphore_mem>>) src(%dma_wait3A_53 : memref<79x128xf32, #tpu.memory_space<vmem>>) dst(%dma_wait3A_50 : memref<79x128xf32, #tpu.memory_space<vmem_shared>>)
        tpu.yield
      }) : () -> ()
    }
    %scan3A_11 = arith.constant 8 : i32
    %barrier3A = arith.constant 0 : index
    tpu.barrier barrier_id(%barrier3A)
    %while3A = arith.constant 0 : i32
    %while3A_12 = arith.constant 0 : i32
    %while3A_13 = arith.subi %select_n3A, %while3A_12 : i32
    %while3A_14 = arith.addi %while3A_12, %while3A_13 : i32
    %while3A_15 = arith.constant 1 : i32
    %while3A_16 = arith.divsi %while3A_13, %while3A_15 : i32
    %while3A_17 = arith.muli %while3A_16, %while3A_15 : i32
    %while3A_18 = arith.addi %while3A_12, %while3A_17 : i32
    %while3A_19 = arith.constant 1 : i32
    scf.for %while3A_26 = %while3A_12 to %while3A_18 step %while3A_19  : i32 {
      "tpu.region"() ({
        %run_scoped3A = tpu.sem_alloc : memref<!tpu.dma_semaphore, #tpu.memory_space<semaphore_mem>>
        %dma_start3A = arith.constant 0 : i32
        %dma_start3A_27 = tpu.memref_slice %arg6[%while3A_26, %dma_start3A] : memref<115x128xi32, #tpu.memory_space<vmem>> -> memref<1x128xi32, #tpu.memory_space<vmem>>
        %dma_start3A_28 = tpu.memref_squeeze %dma_start3A_27 : memref<1x128xi32, #tpu.memory_space<vmem>> -> memref<128xi32, #tpu.memory_space<vmem>>
        %dma_start3A_29 = arith.constant 0 : i32
        %dma_start3A_30 = arith.constant 0 : i32
        %dma_start3A_31 = tpu.memref_slice %arg2[%dma_start3A_29, %dma_start3A_30] : memref<10000x128xf32, #tpu.memory_space<hbm>> -> memref<10000x128xf32, #tpu.memory_space<hbm>>
        tpu.enqueue_indirect_dma source(%dma_start3A_31 : memref<10000x128xf32, #tpu.memory_space<hbm>>) target(%arg8 : memref<128x128xf32, #tpu.memory_space<vmem>>) offsets(%dma_start3A_28 : memref<128xi32, #tpu.memory_space<vmem>>) semaphore(%run_scoped3A : memref<!tpu.dma_semaphore, #tpu.memory_space<semaphore_mem>>)
        %dma_wait3A = arith.constant 0 : i32
        %dma_wait3A_32 = tpu.memref_slice %arg6[%while3A_26, %dma_wait3A] : memref<115x128xi32, #tpu.memory_space<vmem>> -> memref<1x128xi32, #tpu.memory_space<vmem>>
        %dma_wait3A_33 = tpu.memref_squeeze %dma_wait3A_32 : memref<1x128xi32, #tpu.memory_space<vmem>> -> memref<128xi32, #tpu.memory_space<vmem>>
        %dma_wait3A_34 = arith.constant 0 : i32
        %dma_wait3A_35 = arith.constant 0 : i32
        %dma_wait3A_36 = tpu.memref_slice %arg2[%dma_wait3A_34, %dma_wait3A_35] : memref<10000x128xf32, #tpu.memory_space<hbm>> -> memref<10000x128xf32, #tpu.memory_space<hbm>>
        tpu.wait_indirect_dma semaphore(%run_scoped3A : memref<!tpu.dma_semaphore, #tpu.memory_space<semaphore_mem>>) src(%dma_wait3A_36 : memref<10000x128xf32, #tpu.memory_space<hbm>>) dst(%arg8 : memref<128x128xf32, #tpu.memory_space<vmem>>)
        tpu.yield
      }) : () -> ()
      "tpu.region"() ({
        %run_scoped3A = tpu.sem_alloc : memref<!tpu.dma_semaphore, #tpu.memory_space<semaphore_mem>>
        %dma_start3A = arith.constant 0 : i32
        %dma_start3A_27 = tpu.memref_slice %arg7[%while3A_26, %dma_start3A] : memref<115x128xi32, #tpu.memory_space<vmem>> -> memref<1x128xi32, #tpu.memory_space<vmem>>
        %dma_start3A_28 = tpu.memref_squeeze %dma_start3A_27 : memref<1x128xi32, #tpu.memory_space<vmem>> -> memref<128xi32, #tpu.memory_space<vmem>>
        %dma_start3A_29 = arith.constant 0 : i32
        %dma_start3A_30 = arith.constant 0 : i32
        %dma_start3A_31 = tpu.memref_slice %arg9[%dma_start3A_29, %dma_start3A_30] : memref<10112x128xf32, #tpu.memory_space<vmem_shared>> -> memref<10112x128xf32, #tpu.memory_space<vmem_shared>>
        tpu.enqueue_indirect_dma source(%arg8 : memref<128x128xf32, #tpu.memory_space<vmem>>) target(%dma_start3A_31 : memref<10112x128xf32, #tpu.memory_space<vmem_shared>>) offsets(%dma_start3A_28 : memref<128xi32, #tpu.memory_space<vmem>>) semaphore(%run_scoped3A : memref<!tpu.dma_semaphore, #tpu.memory_space<semaphore_mem>>) {add = true}
        %dma_wait3A = arith.constant 0 : i32
        %dma_wait3A_32 = tpu.memref_slice %arg7[%while3A_26, %dma_wait3A] : memref<115x128xi32, #tpu.memory_space<vmem>> -> memref<1x128xi32, #tpu.memory_space<vmem>>
        %dma_wait3A_33 = tpu.memref_squeeze %dma_wait3A_32 : memref<1x128xi32, #tpu.memory_space<vmem>> -> memref<128xi32, #tpu.memory_space<vmem>>
        %dma_wait3A_34 = arith.constant 0 : i32
        %dma_wait3A_35 = arith.constant 0 : i32
        %dma_wait3A_36 = tpu.memref_slice %arg9[%dma_wait3A_34, %dma_wait3A_35] : memref<10112x128xf32, #tpu.memory_space<vmem_shared>> -> memref<10112x128xf32, #tpu.memory_space<vmem_shared>>
        tpu.wait_indirect_dma semaphore(%run_scoped3A : memref<!tpu.dma_semaphore, #tpu.memory_space<semaphore_mem>>) src(%arg8 : memref<128x128xf32, #tpu.memory_space<vmem>>) dst(%dma_wait3A_36 : memref<10112x128xf32, #tpu.memory_space<vmem_shared>>)
        tpu.yield
      }) : () -> ()
    }
    %while3A_20 = arith.constant 1 : i32
    scf.for %while3A_26 = %while3A_18 to %while3A_14 step %while3A_20  : i32 {
      "tpu.region"() ({
        %run_scoped3A = tpu.sem_alloc : memref<!tpu.dma_semaphore, #tpu.memory_space<semaphore_mem>>
        %dma_start3A = arith.constant 0 : i32
        %dma_start3A_27 = tpu.memref_slice %arg6[%while3A_26, %dma_start3A] : memref<115x128xi32, #tpu.memory_space<vmem>> -> memref<1x128xi32, #tpu.memory_space<vmem>>
        %dma_start3A_28 = tpu.memref_squeeze %dma_start3A_27 : memref<1x128xi32, #tpu.memory_space<vmem>> -> memref<128xi32, #tpu.memory_space<vmem>>
        %dma_start3A_29 = arith.constant 0 : i32
        %dma_start3A_30 = arith.constant 0 : i32
        %dma_start3A_31 = tpu.memref_slice %arg2[%dma_start3A_29, %dma_start3A_30] : memref<10000x128xf32, #tpu.memory_space<hbm>> -> memref<10000x128xf32, #tpu.memory_space<hbm>>
        tpu.enqueue_indirect_dma source(%dma_start3A_31 : memref<10000x128xf32, #tpu.memory_space<hbm>>) target(%arg8 : memref<128x128xf32, #tpu.memory_space<vmem>>) offsets(%dma_start3A_28 : memref<128xi32, #tpu.memory_space<vmem>>) semaphore(%run_scoped3A : memref<!tpu.dma_semaphore, #tpu.memory_space<semaphore_mem>>)
        %dma_wait3A = arith.constant 0 : i32
        %dma_wait3A_32 = tpu.memref_slice %arg6[%while3A_26, %dma_wait3A] : memref<115x128xi32, #tpu.memory_space<vmem>> -> memref<1x128xi32, #tpu.memory_space<vmem>>
        %dma_wait3A_33 = tpu.memref_squeeze %dma_wait3A_32 : memref<1x128xi32, #tpu.memory_space<vmem>> -> memref<128xi32, #tpu.memory_space<vmem>>
        %dma_wait3A_34 = arith.constant 0 : i32
        %dma_wait3A_35 = arith.constant 0 : i32
        %dma_wait3A_36 = tpu.memref_slice %arg2[%dma_wait3A_34, %dma_wait3A_35] : memref<10000x128xf32, #tpu.memory_space<hbm>> -> memref<10000x128xf32, #tpu.memory_space<hbm>>
        tpu.wait_indirect_dma semaphore(%run_scoped3A : memref<!tpu.dma_semaphore, #tpu.memory_space<semaphore_mem>>) src(%dma_wait3A_36 : memref<10000x128xf32, #tpu.memory_space<hbm>>) dst(%arg8 : memref<128x128xf32, #tpu.memory_space<vmem>>)
        tpu.yield
      }) : () -> ()
      "tpu.region"() ({
        %run_scoped3A = tpu.sem_alloc : memref<!tpu.dma_semaphore, #tpu.memory_space<semaphore_mem>>
        %dma_start3A = arith.constant 0 : i32
        %dma_start3A_27 = tpu.memref_slice %arg7[%while3A_26, %dma_start3A] : memref<115x128xi32, #tpu.memory_space<vmem>> -> memref<1x128xi32, #tpu.memory_space<vmem>>
        %dma_start3A_28 = tpu.memref_squeeze %dma_start3A_27 : memref<1x128xi32, #tpu.memory_space<vmem>> -> memref<128xi32, #tpu.memory_space<vmem>>
        %dma_start3A_29 = arith.constant 0 : i32
        %dma_start3A_30 = arith.constant 0 : i32
        %dma_start3A_31 = tpu.memref_slice %arg9[%dma_start3A_29, %dma_start3A_30] : memref<10112x128xf32, #tpu.memory_space<vmem_shared>> -> memref<10112x128xf32, #tpu.memory_space<vmem_shared>>
        tpu.enqueue_indirect_dma source(%arg8 : memref<128x128xf32, #tpu.memory_space<vmem>>) target(%dma_start3A_31 : memref<10112x128xf32, #tpu.memory_space<vmem_shared>>) offsets(%dma_start3A_28 : memref<128xi32, #tpu.memory_space<vmem>>) semaphore(%run_scoped3A : memref<!tpu.dma_semaphore, #tpu.memory_space<semaphore_mem>>) {add = true}
        %dma_wait3A = arith.constant 0 : i32
        %dma_wait3A_32 = tpu.memref_slice %arg7[%while3A_26, %dma_wait3A] : memref<115x128xi32, #tpu.memory_space<vmem>> -> memref<1x128xi32, #tpu.memory_space<vmem>>
        %dma_wait3A_33 = tpu.memref_squeeze %dma_wait3A_32 : memref<1x128xi32, #tpu.memory_space<vmem>> -> memref<128xi32, #tpu.memory_space<vmem>>
        %dma_wait3A_34 = arith.constant 0 : i32
        %dma_wait3A_35 = arith.constant 0 : i32
        %dma_wait3A_36 = tpu.memref_slice %arg9[%dma_wait3A_34, %dma_wait3A_35] : memref<10112x128xf32, #tpu.memory_space<vmem_shared>> -> memref<10112x128xf32, #tpu.memory_space<vmem_shared>>
        tpu.wait_indirect_dma semaphore(%run_scoped3A : memref<!tpu.dma_semaphore, #tpu.memory_space<semaphore_mem>>) src(%arg8 : memref<128x128xf32, #tpu.memory_space<vmem>>) dst(%dma_wait3A_36 : memref<10112x128xf32, #tpu.memory_space<vmem_shared>>)
        tpu.yield
      }) : () -> ()
    }
    %barrier3A_21 = arith.constant 0 : index
    tpu.barrier barrier_id(%barrier3A_21)
    %mul3A_22 = arith.constant 632 : i32
    %mul3A_23 = arith.muli %arg1, %mul3A_22 : i32
    %mul3A_24 = arith.constant 632 : i32
    %mul3A_25 = arith.muli %arg1, %mul3A_24 : i32
    "tpu.region"() ({
      %run_scoped3A = tpu.sem_alloc : memref<!tpu.dma_semaphore, #tpu.memory_space<semaphore_mem>>
      %dma_start3A = arith.constant 0 : i32
      %dma_start3A_26 = tpu.memref_slice %arg5[%arg0, %mul3A_25, %dma_start3A] : memref<2x10112x128xf32, #tpu.memory_space<hbm>> -> memref<1x632x128xf32, #tpu.memory_space<hbm>>
      %dma_start3A_27 = tpu.memref_squeeze %dma_start3A_26 : memref<1x632x128xf32, #tpu.memory_space<hbm>> -> memref<632x128xf32, #tpu.memory_space<hbm>>
      %dma_start3A_28 = arith.constant 0 : i32
      %dma_start3A_29 = tpu.memref_slice %arg9[%mul3A_23, %dma_start3A_28] : memref<10112x128xf32, #tpu.memory_space<vmem_shared>> -> memref<632x128xf32, #tpu.memory_space<vmem_shared>>
      tpu.enqueue_dma source(%dma_start3A_29 : memref<632x128xf32, #tpu.memory_space<vmem_shared>>) target(%dma_start3A_27 : memref<632x128xf32, #tpu.memory_space<hbm>>) target_semaphore(%run_scoped3A : memref<!tpu.dma_semaphore, #tpu.memory_space<semaphore_mem>>)
      %dma_wait3A = arith.constant 0 : i32
      %dma_wait3A_30 = tpu.memref_slice %arg5[%arg0, %mul3A_25, %dma_wait3A] : memref<2x10112x128xf32, #tpu.memory_space<hbm>> -> memref<1x632x128xf32, #tpu.memory_space<hbm>>
      %dma_wait3A_31 = tpu.memref_squeeze %dma_wait3A_30 : memref<1x632x128xf32, #tpu.memory_space<hbm>> -> memref<632x128xf32, #tpu.memory_space<hbm>>
      %dma_wait3A_32 = arith.constant 0 : i32
      %dma_wait3A_33 = tpu.memref_slice %arg9[%mul3A_23, %dma_wait3A_32] : memref<10112x128xf32, #tpu.memory_space<vmem_shared>> -> memref<632x128xf32, #tpu.memory_space<vmem_shared>>
      tpu.wait_dma2 semaphore(%run_scoped3A : memref<!tpu.dma_semaphore, #tpu.memory_space<semaphore_mem>>) src(%dma_wait3A_33 : memref<632x128xf32, #tpu.memory_space<vmem_shared>>) dst(%dma_wait3A_31 : memref<632x128xf32, #tpu.memory_space<hbm>>)
      tpu.yield
    }) : () -> ()
    return
  }
}

#map = affine_map<(d0, d1) -> (0, 0)>
#map1 = affine_map<(d0, d1) -> (0, 0, 0)>
module attributes {stable_mosaic.version = 14 : i64} {
  func.func @sc_scatter(%arg0: i32, %arg1: i32, %arg2: memref<10000x128xf32, #tpu.memory_space<hbm>>, %arg3: memref<32x115x128xi32, #tpu.memory_space<hbm>>, %arg4: memref<32x115x128xi32, #tpu.memory_space<hbm>>, %arg5: memref<2x10112x128xf32, #tpu.memory_space<hbm>>, %arg6: memref<115x128xi32, #tpu.memory_space<vmem>>, %arg7: memref<115x128xi32, #tpu.memory_space<vmem>>, %arg8: memref<128x128xf32, #tpu.memory_space<vmem>>, %arg9: memref<10112x128xf32, #tpu.memory_space<vmem_shared>>) attributes {dimension_semantics = [#tpu.dimension_semantics<core_parallel>, #tpu.dimension_semantics<subcore_parallel>], iteration_bounds = array<i64: 2, 16>, scalar_prefetch = 0 : i64, scratch_operands = 4 : i64, tpu.core_type = #tpu.core_type<sc_vector_subcore>, window_params = [{transform_indices = #map}, {transform_indices = #map1}, {transform_indices = #map1}, {transform_indices = #map1}]} {
    %mul3A = arith.constant 16 : i32
    %mul3A_0 = arith.muli %arg0, %mul3A : i32
    %add3A = arith.addi %mul3A_0, %arg1 : i32
    %eq3A = arith.constant 0 : i32
    %eq3A_1 = arith.cmpi eq, %arg0, %eq3A : i32
    %jit3A = arith.constant 115 : i32
    %jit3A_2 = arith.constant 43 : i32
    %select_n3A = arith.select %eq3A_1, %jit3A, %jit3A_2 : i32
    "tpu.region"() ({
      %run_scoped3A = tpu.sem_alloc : memref<!tpu.dma_semaphore, #tpu.memory_space<semaphore_mem>>
      %dma_start3A = arith.constant 0 : i32
      %dma_start3A_26 = arith.constant 0 : i32
      %dma_start3A_27 = tpu.memref_slice %arg3[%add3A, %dma_start3A, %dma_start3A_26] : memref<32x115x128xi32, #tpu.memory_space<hbm>> -> memref<1x115x128xi32, #tpu.memory_space<hbm>>
      %dma_start3A_28 = tpu.memref_squeeze %dma_start3A_27 : memref<1x115x128xi32, #tpu.memory_space<hbm>> -> memref<115x128xi32, #tpu.memory_space<hbm>>
      %dma_start3A_29 = arith.constant 0 : i32
      %dma_start3A_30 = arith.constant 0 : i32
      %dma_start3A_31 = tpu.memref_slice %arg3[%add3A, %dma_start3A_29, %dma_start3A_30] : memref<32x115x128xi32, #tpu.memory_space<hbm>> -> memref<1x115x128xi32, #tpu.memory_space<hbm>>
      %dma_start3A_32 = tpu.memref_squeeze %dma_start3A_31 : memref<1x115x128xi32, #tpu.memory_space<hbm>> -> memref<115x128xi32, #tpu.memory_space<hbm>>
      tpu.enqueue_dma source(%dma_start3A_32 : memref<115x128xi32, #tpu.memory_space<hbm>>) target(%arg6 : memref<115x128xi32, #tpu.memory_space<vmem>>) target_semaphore(%run_scoped3A : memref<!tpu.dma_semaphore, #tpu.memory_space<semaphore_mem>>)
      %dma_wait3A = arith.constant 0 : i32
      %dma_wait3A_33 = arith.constant 0 : i32
      %dma_wait3A_34 = tpu.memref_slice %arg3[%add3A, %dma_wait3A, %dma_wait3A_33] : memref<32x115x128xi32, #tpu.memory_space<hbm>> -> memref<1x115x128xi32, #tpu.memory_space<hbm>>
      %dma_wait3A_35 = tpu.memref_squeeze %dma_wait3A_34 : memref<1x115x128xi32, #tpu.memory_space<hbm>> -> memref<115x128xi32, #tpu.memory_space<hbm>>
      %dma_wait3A_36 = arith.constant 0 : i32
      %dma_wait3A_37 = arith.constant 0 : i32
      %dma_wait3A_38 = tpu.memref_slice %arg3[%add3A, %dma_wait3A_36, %dma_wait3A_37] : memref<32x115x128xi32, #tpu.memory_space<hbm>> -> memref<1x115x128xi32, #tpu.memory_space<hbm>>
      %dma_wait3A_39 = tpu.memref_squeeze %dma_wait3A_38 : memref<1x115x128xi32, #tpu.memory_space<hbm>> -> memref<115x128xi32, #tpu.memory_space<hbm>>
      tpu.wait_dma2 semaphore(%run_scoped3A : memref<!tpu.dma_semaphore, #tpu.memory_space<semaphore_mem>>) src(%dma_wait3A_39 : memref<115x128xi32, #tpu.memory_space<hbm>>) dst(%arg6 : memref<115x128xi32, #tpu.memory_space<vmem>>)
      tpu.yield
    }) : () -> ()
    "tpu.region"() ({
      %run_scoped3A = tpu.sem_alloc : memref<!tpu.dma_semaphore, #tpu.memory_space<semaphore_mem>>
      %dma_start3A = arith.constant 0 : i32
      %dma_start3A_26 = arith.constant 0 : i32
      %dma_start3A_27 = tpu.memref_slice %arg4[%add3A, %dma_start3A, %dma_start3A_26] : memref<32x115x128xi32, #tpu.memory_space<hbm>> -> memref<1x115x128xi32, #tpu.memory_space<hbm>>
      %dma_start3A_28 = tpu.memref_squeeze %dma_start3A_27 : memref<1x115x128xi32, #tpu.memory_space<hbm>> -> memref<115x128xi32, #tpu.memory_space<hbm>>
      %dma_start3A_29 = arith.constant 0 : i32
      %dma_start3A_30 = arith.constant 0 : i32
      %dma_start3A_31 = tpu.memref_slice %arg4[%add3A, %dma_start3A_29, %dma_start3A_30] : memref<32x115x128xi32, #tpu.memory_space<hbm>> -> memref<1x115x128xi32, #tpu.memory_space<hbm>>
      %dma_start3A_32 = tpu.memref_squeeze %dma_start3A_31 : memref<1x115x128xi32, #tpu.memory_space<hbm>> -> memref<115x128xi32, #tpu.memory_space<hbm>>
      tpu.enqueue_dma source(%dma_start3A_32 : memref<115x128xi32, #tpu.memory_space<hbm>>) target(%arg7 : memref<115x128xi32, #tpu.memory_space<vmem>>) target_semaphore(%run_scoped3A : memref<!tpu.dma_semaphore, #tpu.memory_space<semaphore_mem>>)
      %dma_wait3A = arith.constant 0 : i32
      %dma_wait3A_33 = arith.constant 0 : i32
      %dma_wait3A_34 = tpu.memref_slice %arg4[%add3A, %dma_wait3A, %dma_wait3A_33] : memref<32x115x128xi32, #tpu.memory_space<hbm>> -> memref<1x115x128xi32, #tpu.memory_space<hbm>>
      %dma_wait3A_35 = tpu.memref_squeeze %dma_wait3A_34 : memref<1x115x128xi32, #tpu.memory_space<hbm>> -> memref<115x128xi32, #tpu.memory_space<hbm>>
      %dma_wait3A_36 = arith.constant 0 : i32
      %dma_wait3A_37 = arith.constant 0 : i32
      %dma_wait3A_38 = tpu.memref_slice %arg4[%add3A, %dma_wait3A_36, %dma_wait3A_37] : memref<32x115x128xi32, #tpu.memory_space<hbm>> -> memref<1x115x128xi32, #tpu.memory_space<hbm>>
      %dma_wait3A_39 = tpu.memref_squeeze %dma_wait3A_38 : memref<1x115x128xi32, #tpu.memory_space<hbm>> -> memref<115x128xi32, #tpu.memory_space<hbm>>
      tpu.wait_dma2 semaphore(%run_scoped3A : memref<!tpu.dma_semaphore, #tpu.memory_space<semaphore_mem>>) src(%dma_wait3A_39 : memref<115x128xi32, #tpu.memory_space<hbm>>) dst(%arg7 : memref<115x128xi32, #tpu.memory_space<vmem>>)
      tpu.yield
    }) : () -> ()
    %scan3A = arith.constant 0 : i32
    %scan3A_3 = arith.constant 79 : i32
    %scan3A_4 = arith.addi %scan3A, %scan3A_3 : i32
    %scan3A_5 = arith.constant 1 : i32
    scf.for %scan3A_26 = %scan3A to %scan3A_4 step %scan3A_5  : i32 {
      %mul3A_27 = arith.constant 1 : i32
      %mul3A_28 = arith.muli %scan3A_26, %mul3A_27 : i32
      %add3A_29 = arith.constant 0 : i32
      %add3A_30 = arith.addi %add3A_29, %mul3A_28 : i32
      %scan3A_31 = arith.constant 0 : i32
      %scan3A_32 = arith.constant 8 : i32
      %scan3A_33 = arith.addi %scan3A_31, %scan3A_32 : i32
      %scan3A_34 = arith.constant 1 : i32
      scf.for %scan3A_36 = %scan3A_31 to %scan3A_33 step %scan3A_34  : i32 {
        %mul3A_37 = arith.constant 16 : i32
        %mul3A_38 = arith.muli %scan3A_36, %mul3A_37 : i32
        %add3A_39 = arith.constant 0 : i32
        %add3A_40 = arith.addi %add3A_39, %mul3A_38 : i32
        %broadcast_in_dim3A = arith.constant 0.000000e+00 : f32
        %broadcast_in_dim3A_41 = vector.broadcast %broadcast_in_dim3A : f32 to vector<16xf32>
        %swap3A = arith.index_cast %add3A_30 : i32 to index
        %swap3A_42 = arith.index_cast %add3A_40 : i32 to index
        %swap3A_43 = tpu.vector_load %arg8[%swap3A, %swap3A_42] {strides = array<i32>} : memref<128x128xf32, #tpu.memory_space<vmem>>, vector<1x16xf32>,
        %swap3A_44 = vector.shape_cast %swap3A_43 : vector<1x16xf32> to vector<16xf32>
        %swap3A_45 = vector.shape_cast %broadcast_in_dim3A_41 : vector<16xf32> to vector<1x16xf32>
        tpu.vector_store %arg8[%swap3A, %swap3A_42], %swap3A_45 {strides = array<i32>} : memref<128x128xf32, #tpu.memory_space<vmem>>, vector<1x16xf32>,
      }
      %scan3A_35 = arith.constant 8 : i32
    }
    %scan3A_6 = arith.constant 79 : i32
    %scan3A_7 = arith.constant 0 : i32
    %scan3A_8 = arith.constant 8 : i32
    %scan3A_9 = arith.addi %scan3A_7, %scan3A_8 : i32
    %scan3A_10 = arith.constant 1 : i32
    scf.for %scan3A_26 = %scan3A_7 to %scan3A_9 step %scan3A_10  : i32 {
      %mul3A_27 = arith.constant 1 : i32
      %mul3A_28 = arith.muli %scan3A_26, %mul3A_27 : i32
      %add3A_29 = arith.constant 0 : i32
      %add3A_30 = arith.addi %add3A_29, %mul3A_28 : i32
      %mul3A_31 = arith.constant 632 : i32
      %mul3A_32 = arith.muli %arg1, %mul3A_31 : i32
      %mul3A_33 = arith.constant 79 : i32
      %mul3A_34 = arith.muli %add3A_30, %mul3A_33 : i32
      %add3A_35 = arith.addi %mul3A_32, %mul3A_34 : i32
      "tpu.region"() ({
        %run_scoped3A = tpu.sem_alloc : memref<!tpu.dma_semaphore, #tpu.memory_space<semaphore_mem>>
        %dma_start3A = arith.constant 0 : i32
        %dma_start3A_36 = arith.constant 0 : i32
        %dma_start3A_37 = tpu.memref_slice %arg8[%dma_start3A, %dma_start3A_36] : memref<128x128xf32, #tpu.memory_space<vmem>> -> memref<79x128xf32, #tpu.memory_space<vmem>>
        %dma_start3A_38 = arith.constant 0 : i32
        %dma_start3A_39 = tpu.memref_slice %arg9[%add3A_35, %dma_start3A_38] : memref<10112x128xf32, #tpu.memory_space<vmem_shared>> -> memref<79x128xf32, #tpu.memory_space<vmem_shared>>
        %dma_start3A_40 = arith.constant 0 : i32
        %dma_start3A_41 = tpu.memref_slice %arg9[%add3A_35, %dma_start3A_40] : memref<10112x128xf32, #tpu.memory_space<vmem_shared>> -> memref<79x128xf32, #tpu.memory_space<vmem_shared>>
        %dma_start3A_42 = arith.constant 0 : i32
        %dma_start3A_43 = arith.constant 0 : i32
        %dma_start3A_44 = tpu.memref_slice %arg8[%dma_start3A_42, %dma_start3A_43] : memref<128x128xf32, #tpu.memory_space<vmem>> -> memref<79x128xf32, #tpu.memory_space<vmem>>
        tpu.enqueue_dma source(%dma_start3A_44 : memref<79x128xf32, #tpu.memory_space<vmem>>) target(%dma_start3A_41 : memref<79x128xf32, #tpu.memory_space<vmem_shared>>) target_semaphore(%run_scoped3A : memref<!tpu.dma_semaphore, #tpu.memory_space<semaphore_mem>>)
        %dma_wait3A = arith.constant 0 : i32
        %dma_wait3A_45 = arith.constant 0 : i32
        %dma_wait3A_46 = tpu.memref_slice %arg8[%dma_wait3A, %dma_wait3A_45] : memref<128x128xf32, #tpu.memory_space<vmem>> -> memref<79x128xf32, #tpu.memory_space<vmem>>
        %dma_wait3A_47 = arith.constant 0 : i32
        %dma_wait3A_48 = tpu.memref_slice %arg9[%add3A_35, %dma_wait3A_47] : memref<10112x128xf32, #tpu.memory_space<vmem_shared>> -> memref<79x128xf32, #tpu.memory_space<vmem_shared>>
        %dma_wait3A_49 = arith.constant 0 : i32
        %dma_wait3A_50 = tpu.memref_slice %arg9[%add3A_35, %dma_wait3A_49] : memref<10112x128xf32, #tpu.memory_space<vmem_shared>> -> memref<79x128xf32, #tpu.memory_space<vmem_shared>>
        %dma_wait3A_51 = arith.constant 0 : i32
        %dma_wait3A_52 = arith.constant 0 : i32
        %dma_wait3A_53 = tpu.memref_slice %arg8[%dma_wait3A_51, %dma_wait3A_52] : memref<128x128xf32, #tpu.memory_space<vmem>> -> memref<79x128xf32, #tpu.memory_space<vmem>>
        tpu.wait_dma2 semaphore(%run_scoped3A : memref<!tpu.dma_semaphore, #tpu.memory_space<semaphore_mem>>) src(%dma_wait3A_53 : memref<79x128xf32, #tpu.memory_space<vmem>>) dst(%dma_wait3A_50 : memref<79x128xf32, #tpu.memory_space<vmem_shared>>)
        tpu.yield
      }) : () -> ()
    }
    %scan3A_11 = arith.constant 8 : i32
    %barrier3A = arith.constant 0 : index
    tpu.barrier barrier_id(%barrier3A)
    %while3A = arith.constant 0 : i32
    %while3A_12 = arith.constant 0 : i32
    %while3A_13 = arith.subi %select_n3A, %while3A_12 : i32
    %while3A_14 = arith.addi %while3A_12, %while3A_13 : i32
    %while3A_15 = arith.constant 1 : i32
    %while3A_16 = arith.divsi %while3A_13, %while3A_15 : i32
    %while3A_17 = arith.muli %while3A_16, %while3A_15 : i32
    %while3A_18 = arith.addi %while3A_12, %while3A_17 : i32
    %while3A_19 = arith.constant 1 : i32
    scf.for %while3A_26 = %while3A_12 to %while3A_18 step %while3A_19  : i32 {
      "tpu.region"() ({
        %run_scoped3A = tpu.sem_alloc : memref<!tpu.dma_semaphore, #tpu.memory_space<semaphore_mem>>
        %dma_start3A = arith.constant 0 : i32
        %dma_start3A_27 = tpu.memref_slice %arg6[%while3A_26, %dma_start3A] : memref<115x128xi32, #tpu.memory_space<vmem>> -> memref<1x128xi32, #tpu.memory_space<vmem>>
        %dma_start3A_28 = tpu.memref_squeeze %dma_start3A_27 : memref<1x128xi32, #tpu.memory_space<vmem>> -> memref<128xi32, #tpu.memory_space<vmem>>
        %dma_start3A_29 = arith.constant 0 : i32
        %dma_start3A_30 = arith.constant 0 : i32
        %dma_start3A_31 = tpu.memref_slice %arg2[%dma_start3A_29, %dma_start3A_30] : memref<10000x128xf32, #tpu.memory_space<hbm>> -> memref<10000x128xf32, #tpu.memory_space<hbm>>
        tpu.enqueue_indirect_dma source(%dma_start3A_31 : memref<10000x128xf32, #tpu.memory_space<hbm>>) target(%arg8 : memref<128x128xf32, #tpu.memory_space<vmem>>) offsets(%dma_start3A_28 : memref<128xi32, #tpu.memory_space<vmem>>) semaphore(%run_scoped3A : memref<!tpu.dma_semaphore, #tpu.memory_space<semaphore_mem>>)
        %dma_wait3A = arith.constant 0 : i32
        %dma_wait3A_32 = tpu.memref_slice %arg6[%while3A_26, %dma_wait3A] : memref<115x128xi32, #tpu.memory_space<vmem>> -> memref<1x128xi32, #tpu.memory_space<vmem>>
        %dma_wait3A_33 = tpu.memref_squeeze %dma_wait3A_32 : memref<1x128xi32, #tpu.memory_space<vmem>> -> memref<128xi32, #tpu.memory_space<vmem>>
        %dma_wait3A_34 = arith.constant 0 : i32
        %dma_wait3A_35 = arith.constant 0 : i32
        %dma_wait3A_36 = tpu.memref_slice %arg2[%dma_wait3A_34, %dma_wait3A_35] : memref<10000x128xf32, #tpu.memory_space<hbm>> -> memref<10000x128xf32, #tpu.memory_space<hbm>>
        tpu.wait_indirect_dma semaphore(%run_scoped3A : memref<!tpu.dma_semaphore, #tpu.memory_space<semaphore_mem>>) src(%dma_wait3A_36 : memref<10000x128xf32, #tpu.memory_space<hbm>>) dst(%arg8 : memref<128x128xf32, #tpu.memory_space<vmem>>)
        tpu.yield
      }) : () -> ()
      "tpu.region"() ({
        %run_scoped3A = tpu.sem_alloc : memref<!tpu.dma_semaphore, #tpu.memory_space<semaphore_mem>>
        %dma_start3A = arith.constant 0 : i32
        %dma_start3A_27 = tpu.memref_slice %arg7[%while3A_26, %dma_start3A] : memref<115x128xi32, #tpu.memory_space<vmem>> -> memref<1x128xi32, #tpu.memory_space<vmem>>
        %dma_start3A_28 = tpu.memref_squeeze %dma_start3A_27 : memref<1x128xi32, #tpu.memory_space<vmem>> -> memref<128xi32, #tpu.memory_space<vmem>>
        %dma_start3A_29 = arith.constant 0 : i32
        %dma_start3A_30 = arith.constant 0 : i32
        %dma_start3A_31 = tpu.memref_slice %arg9[%dma_start3A_29, %dma_start3A_30] : memref<10112x128xf32, #tpu.memory_space<vmem_shared>> -> memref<10112x128xf32, #tpu.memory_space<vmem_shared>>
        tpu.enqueue_indirect_dma source(%arg8 : memref<128x128xf32, #tpu.memory_space<vmem>>) target(%dma_start3A_31 : memref<10112x128xf32, #tpu.memory_space<vmem_shared>>) offsets(%dma_start3A_28 : memref<128xi32, #tpu.memory_space<vmem>>) semaphore(%run_scoped3A : memref<!tpu.dma_semaphore, #tpu.memory_space<semaphore_mem>>) {add = true}
        %dma_wait3A = arith.constant 0 : i32
        %dma_wait3A_32 = tpu.memref_slice %arg7[%while3A_26, %dma_wait3A] : memref<115x128xi32, #tpu.memory_space<vmem>> -> memref<1x128xi32, #tpu.memory_space<vmem>>
        %dma_wait3A_33 = tpu.memref_squeeze %dma_wait3A_32 : memref<1x128xi32, #tpu.memory_space<vmem>> -> memref<128xi32, #tpu.memory_space<vmem>>
        %dma_wait3A_34 = arith.constant 0 : i32
        %dma_wait3A_35 = arith.constant 0 : i32
        %dma_wait3A_36 = tpu.memref_slice %arg9[%dma_wait3A_34, %dma_wait3A_35] : memref<10112x128xf32, #tpu.memory_space<vmem_shared>> -> memref<10112x128xf32, #tpu.memory_space<vmem_shared>>
        tpu.wait_indirect_dma semaphore(%run_scoped3A : memref<!tpu.dma_semaphore, #tpu.memory_space<semaphore_mem>>) src(%arg8 : memref<128x128xf32, #tpu.memory_space<vmem>>) dst(%dma_wait3A_36 : memref<10112x128xf32, #tpu.memory_space<vmem_shared>>)
        tpu.yield
      }) : () -> ()
    }
    %while3A_20 = arith.constant 1 : i32
    scf.for %while3A_26 = %while3A_18 to %while3A_14 step %while3A_20  : i32 {
      "tpu.region"() ({
        %run_scoped3A = tpu.sem_alloc : memref<!tpu.dma_semaphore, #tpu.memory_space<semaphore_mem>>
        %dma_start3A = arith.constant 0 : i32
        %dma_start3A_27 = tpu.memref_slice %arg6[%while3A_26, %dma_start3A] : memref<115x128xi32, #tpu.memory_space<vmem>> -> memref<1x128xi32, #tpu.memory_space<vmem>>
        %dma_start3A_28 = tpu.memref_squeeze %dma_start3A_27 : memref<1x128xi32, #tpu.memory_space<vmem>> -> memref<128xi32, #tpu.memory_space<vmem>>
        %dma_start3A_29 = arith.constant 0 : i32
        %dma_start3A_30 = arith.constant 0 : i32
        %dma_start3A_31 = tpu.memref_slice %arg2[%dma_start3A_29, %dma_start3A_30] : memref<10000x128xf32, #tpu.memory_space<hbm>> -> memref<10000x128xf32, #tpu.memory_space<hbm>>
        tpu.enqueue_indirect_dma source(%dma_start3A_31 : memref<10000x128xf32, #tpu.memory_space<hbm>>) target(%arg8 : memref<128x128xf32, #tpu.memory_space<vmem>>) offsets(%dma_start3A_28 : memref<128xi32, #tpu.memory_space<vmem>>) semaphore(%run_scoped3A : memref<!tpu.dma_semaphore, #tpu.memory_space<semaphore_mem>>)
        %dma_wait3A = arith.constant 0 : i32
        %dma_wait3A_32 = tpu.memref_slice %arg6[%while3A_26, %dma_wait3A] : memref<115x128xi32, #tpu.memory_space<vmem>> -> memref<1x128xi32, #tpu.memory_space<vmem>>
        %dma_wait3A_33 = tpu.memref_squeeze %dma_wait3A_32 : memref<1x128xi32, #tpu.memory_space<vmem>> -> memref<128xi32, #tpu.memory_space<vmem>>
        %dma_wait3A_34 = arith.constant 0 : i32
        %dma_wait3A_35 = arith.constant 0 : i32
        %dma_wait3A_36 = tpu.memref_slice %arg2[%dma_wait3A_34, %dma_wait3A_35] : memref<10000x128xf32, #tpu.memory_space<hbm>> -> memref<10000x128xf32, #tpu.memory_space<hbm>>
        tpu.wait_indirect_dma semaphore(%run_scoped3A : memref<!tpu.dma_semaphore, #tpu.memory_space<semaphore_mem>>) src(%dma_wait3A_36 : memref<10000x128xf32, #tpu.memory_space<hbm>>) dst(%arg8 : memref<128x128xf32, #tpu.memory_space<vmem>>)
        tpu.yield
      }) : () -> ()
      "tpu.region"() ({
        %run_scoped3A = tpu.sem_alloc : memref<!tpu.dma_semaphore, #tpu.memory_space<semaphore_mem>>
        %dma_start3A = arith.constant 0 : i32
        %dma_start3A_27 = tpu.memref_slice %arg7[%while3A_26, %dma_start3A] : memref<115x128xi32, #tpu.memory_space<vmem>> -> memref<1x128xi32, #tpu.memory_space<vmem>>
        %dma_start3A_28 = tpu.memref_squeeze %dma_start3A_27 : memref<1x128xi32, #tpu.memory_space<vmem>> -> memref<128xi32, #tpu.memory_space<vmem>>
        %dma_start3A_29 = arith.constant 0 : i32
        %dma_start3A_30 = arith.constant 0 : i32
        %dma_start3A_31 = tpu.memref_slice %arg9[%dma_start3A_29, %dma_start3A_30] : memref<10112x128xf32, #tpu.memory_space<vmem_shared>> -> memref<10112x128xf32, #tpu.memory_space<vmem_shared>>
        tpu.enqueue_indirect_dma source(%arg8 : memref<128x128xf32, #tpu.memory_space<vmem>>) target(%dma_start3A_31 : memref<10112x128xf32, #tpu.memory_space<vmem_shared>>) offsets(%dma_start3A_28 : memref<128xi32, #tpu.memory_space<vmem>>) semaphore(%run_scoped3A : memref<!tpu.dma_semaphore, #tpu.memory_space<semaphore_mem>>) {add = true}
        %dma_wait3A = arith.constant 0 : i32
        %dma_wait3A_32 = tpu.memref_slice %arg7[%while3A_26, %dma_wait3A] : memref<115x128xi32, #tpu.memory_space<vmem>> -> memref<1x128xi32, #tpu.memory_space<vmem>>
        %dma_wait3A_33 = tpu.memref_squeeze %dma_wait3A_32 : memref<1x128xi32, #tpu.memory_space<vmem>> -> memref<128xi32, #tpu.memory_space<vmem>>
        %dma_wait3A_34 = arith.constant 0 : i32
        %dma_wait3A_35 = arith.constant 0 : i32
        %dma_wait3A_36 = tpu.memref_slice %arg9[%dma_wait3A_34, %dma_wait3A_35] : memref<10112x128xf32, #tpu.memory_space<vmem_shared>> -> memref<10112x128xf32, #tpu.memory_space<vmem_shared>>
        tpu.wait_indirect_dma semaphore(%run_scoped3A : memref<!tpu.dma_semaphore, #tpu.memory_space<semaphore_mem>>) src(%arg8 : memref<128x128xf32, #tpu.memory_space<vmem>>) dst(%dma_wait3A_36 : memref<10112x128xf32, #tpu.memory_space<vmem_shared>>)
        tpu.yield
      }) : () -> ()
    }
    %barrier3A_21 = arith.constant 0 : index
    tpu.barrier barrier_id(%barrier3A_21)
    %mul3A_22 = arith.constant 632 : i32
    %mul3A_23 = arith.muli %arg1, %mul3A_22 : i32
    %mul3A_24 = arith.constant 632 : i32
    %mul3A_25 = arith.muli %arg1, %mul3A_24 : i32
    "tpu.region"() ({
      %run_scoped3A = tpu.sem_alloc : memref<!tpu.dma_semaphore, #tpu.memory_space<semaphore_mem>>
      %dma_start3A = arith.constant 0 : i32
      %dma_start3A_26 = tpu.memref_slice %arg5[%arg0, %mul3A_25, %dma_start3A] : memref<2x10112x128xf32, #tpu.memory_space<hbm>> -> memref<1x632x128xf32, #tpu.memory_space<hbm>>
      %dma_start3A_27 = tpu.memref_squeeze %dma_start3A_26 : memref<1x632x128xf32, #tpu.memory_space<hbm>> -> memref<632x128xf32, #tpu.memory_space<hbm>>
      %dma_start3A_28 = arith.constant 0 : i32
      %dma_start3A_29 = tpu.memref_slice %arg9[%mul3A_23, %dma_start3A_28] : memref<10112x128xf32, #tpu.memory_space<vmem_shared>> -> memref<632x128xf32, #tpu.memory_space<vmem_shared>>
      tpu.enqueue_dma source(%dma_start3A_29 : memref<632x128xf32, #tpu.memory_space<vmem_shared>>) target(%dma_start3A_27 : memref<632x128xf32, #tpu.memory_space<hbm>>) target_semaphore(%run_scoped3A : memref<!tpu.dma_semaphore, #tpu.memory_space<semaphore_mem>>)
      %dma_wait3A = arith.constant 0 : i32
      %dma_wait3A_30 = tpu.memref_slice %arg5[%arg0, %mul3A_25, %dma_wait3A] : memref<2x10112x128xf32, #tpu.memory_space<hbm>> -> memref<1x632x128xf32, #tpu.memory_space<hbm>>
      %dma_wait3A_31 = tpu.memref_squeeze %dma_wait3A_30 : memref<1x632x128xf32, #tpu.memory_space<hbm>> -> memref<632x128xf32, #tpu.memory_space<hbm>>
      %dma_wait3A_32 = arith.constant 0 : i32
      %dma_wait3A_33 = tpu.memref_slice %arg9[%mul3A_23, %dma_wait3A_32] : memref<10112x128xf32, #tpu.memory_space<vmem_shared>> -> memref<632x128xf32, #tpu.memory_space<vmem_shared>>
      tpu.wait_dma2 semaphore(%run_scoped3A : memref<!tpu.dma_semaphore, #tpu.memory_space<semaphore_mem>>) src(%dma_wait3A_33 : memref<632x128xf32, #tpu.memory_space<vmem_shared>>) dst(%dma_wait3A_31 : memref<632x128xf32, #tpu.memory_space<hbm>>)
      tpu.yield
    }) : () -> ()
    return
  }
}

module attributes {stable_mosaic.version = 14 : i64} {
  func.func @_gru_body(%arg0: i32, %arg1: memref<2x1000x128xf32, #tpu.memory_space<vmem>>, %arg2: memref<1000x128xf32, #tpu.memory_space<vmem>>, %arg3: memref<128x128xf32, #tpu.memory_space<vmem>>, %arg4: memref<384x128xf32, #tpu.memory_space<vmem>>, %arg5: memref<384x128xf32, #tpu.memory_space<vmem>>, %arg6: memref<1x384xf32, #tpu.memory_space<vmem>>, %arg7: memref<1x384xf32, #tpu.memory_space<vmem>>, %arg8: memref<1000x128xf32, #tpu.memory_space<vmem>>) attributes {dimension_semantics = [#tpu.dimension_semantics<arbitrary>], iteration_bounds = array<i64: 10>, scalar_prefetch = 0 : i64, scratch_operands = 0 : i64, tpu.core_type = #tpu.core_type<tc>, window_params = [{transform_indices = @transform_0, window_bounds = array<i64: 2, 1000, 128>}, {transform_indices = @transform_1, window_bounds = array<i64: 1000, 128>}, {pipeline_mode = #tpu.pipeline_mode<synchronous>, transform_indices = @transform_2, window_bounds = array<i64: 128, 128>}, {pipeline_mode = #tpu.pipeline_mode<synchronous>, transform_indices = @transform_3, window_bounds = array<i64: 384, 128>}, {pipeline_mode = #tpu.pipeline_mode<synchronous>, transform_indices = @transform_4, window_bounds = array<i64: 384, 128>}, {pipeline_mode = #tpu.pipeline_mode<synchronous>, transform_indices = @transform_5, window_bounds = array<i64: 1, 384>}, {pipeline_mode = #tpu.pipeline_mode<synchronous>, transform_indices = @transform_6, window_bounds = array<i64: 1, 384>}, {transform_indices = @transform_7, window_bounds = array<i64: 1000, 128>}]} {
    %get3A = arith.constant 0 : index
    %get3A_0 = arith.constant 0 : index
    %get3A_1 = arith.constant 0 : index
    %get3A_2 = vector.load %arg1[%get3A, %get3A_0, %get3A_1] : memref<2x1000x128xf32, #tpu.memory_space<vmem>>, vector<1x1000x128xf32>
    %get3A_3 = vector.shape_cast %get3A_2 : vector<1x1000x128xf32> to vector<1000x128xf32>
    %get3A_4 = arith.constant 1 : index
    %get3A_5 = arith.constant 0 : index
    %get3A_6 = arith.constant 0 : index
    %get3A_7 = vector.load %arg1[%get3A_4, %get3A_5, %get3A_6] : memref<2x1000x128xf32, #tpu.memory_space<vmem>>, vector<1x1000x128xf32>
    %get3A_8 = vector.shape_cast %get3A_7 : vector<1x1000x128xf32> to vector<1000x128xf32>
    %add3A = arith.addf %get3A_3, %get3A_8 : vector<1000x128xf32>
    %get3A_9 = arith.constant 0 : index
    %get3A_10 = arith.constant 0 : index
    %get3A_11 = vector.load %arg3[%get3A_9, %get3A_10] : memref<128x128xf32, #tpu.memory_space<vmem>>, vector<128x128xf32>
    %dot_general3A = arith.constant dense<0.000000e+00> : vector<1000x128xf32>
    %dot_general3A_12 = tpu.matmul %add3A, %get3A_11, %dot_general3A {dimension_numbers = #tpu.dot_dimension_numbers<[1], [0], [0], [1], [0, 0, 1, 1], [], []>, transpose_lhs_hint = false} : vector<1000x128xf32>, vector<128x128xf32>, vector<1000x128xf32> -> vector<1000x128xf32>
    %get3A_13 = arith.constant 0 : index
    %get3A_14 = arith.constant 0 : index
    %get3A_15 = vector.load %arg4[%get3A_13, %get3A_14] : memref<384x128xf32, #tpu.memory_space<vmem>>, vector<384x128xf32>
    %dot_general3A_16 = arith.constant dense<0.000000e+00> : vector<1000x384xf32>
    %dot_general3A_17 = tpu.matmul %dot_general3A_12, %get3A_15, %dot_general3A_16 {dimension_numbers = #tpu.dot_dimension_numbers<[1], [1], [0], [0], [0, 0, 1, 0], [], []>, transpose_lhs_hint = false} : vector<1000x128xf32>, vector<384x128xf32>, vector<1000x384xf32> -> vector<1000x384xf32>
    %get3A_18 = arith.constant 0 : index
    %get3A_19 = arith.constant 0 : index
    %get3A_20 = vector.load %arg6[%get3A_18, %get3A_19] : memref<1x384xf32, #tpu.memory_space<vmem>>, vector<1x384xf32>
    %add3A_21 = vector.broadcast %get3A_20 : vector<1x384xf32> to vector<1000x384xf32>
    %add3A_22 = arith.addf %dot_general3A_17, %add3A_21 : vector<1000x384xf32>
    %get3A_23 = arith.constant 0 : index
    %get3A_24 = arith.constant 0 : index
    %get3A_25 = vector.load %arg2[%get3A_23, %get3A_24] : memref<1000x128xf32, #tpu.memory_space<vmem>>, vector<1000x128xf32>
    %get3A_26 = arith.constant 0 : index
    %get3A_27 = arith.constant 0 : index
    %get3A_28 = vector.load %arg5[%get3A_26, %get3A_27] : memref<384x128xf32, #tpu.memory_space<vmem>>, vector<384x128xf32>
    %dot_general3A_29 = arith.constant dense<0.000000e+00> : vector<1000x384xf32>
    %dot_general3A_30 = tpu.matmul %get3A_25, %get3A_28, %dot_general3A_29 {dimension_numbers = #tpu.dot_dimension_numbers<[1], [1], [0], [0], [0, 0, 1, 0], [], []>, transpose_lhs_hint = false} : vector<1000x128xf32>, vector<384x128xf32>, vector<1000x384xf32> -> vector<1000x384xf32>
    %get3A_31 = arith.constant 0 : index
    %get3A_32 = arith.constant 0 : index
    %get3A_33 = vector.load %arg7[%get3A_31, %get3A_32] : memref<1x384xf32, #tpu.memory_space<vmem>>, vector<1x384xf32>
    %add3A_34 = vector.broadcast %get3A_33 : vector<1x384xf32> to vector<1000x384xf32>
    %add3A_35 = arith.addf %dot_general3A_30, %add3A_34 : vector<1000x384xf32>
    %slice3A = vector.extract_strided_slice %add3A_22 {offsets = [0, 0], sizes = [1000, 128], strides = [1, 1]} : vector<1000x384xf32> to vector<1000x128xf32>
    %slice3A_36 = vector.extract_strided_slice %add3A_22 {offsets = [0, 128], sizes = [1000, 128], strides = [1, 1]} : vector<1000x384xf32> to vector<1000x128xf32>
    %slice3A_37 = vector.extract_strided_slice %add3A_22 {offsets = [0, 256], sizes = [1000, 128], strides = [1, 1]} : vector<1000x384xf32> to vector<1000x128xf32>
    %slice3A_38 = vector.extract_strided_slice %add3A_35 {offsets = [0, 0], sizes = [1000, 128], strides = [1, 1]} : vector<1000x384xf32> to vector<1000x128xf32>
    %slice3A_39 = vector.extract_strided_slice %add3A_35 {offsets = [0, 128], sizes = [1000, 128], strides = [1, 1]} : vector<1000x384xf32> to vector<1000x128xf32>
    %slice3A_40 = vector.extract_strided_slice %add3A_35 {offsets = [0, 256], sizes = [1000, 128], strides = [1, 1]} : vector<1000x384xf32> to vector<1000x128xf32>
    %add3A_41 = arith.addf %slice3A, %slice3A_38 : vector<1000x128xf32>
    %logistic3A = arith.negf %add3A_41 : vector<1000x128xf32>
    %logistic3A_42 = math.exp %logistic3A : vector<1000x128xf32>
    %logistic3A_43 = arith.constant 1.000000e+00 : f32
    %logistic3A_44 = vector.broadcast %logistic3A_43 : f32 to vector<1000x128xf32>
    %logistic3A_45 = arith.addf %logistic3A_44, %logistic3A_42 : vector<1000x128xf32>
    %logistic3A_46 = arith.divf %logistic3A_44, %logistic3A_45 : vector<1000x128xf32>
    %add3A_47 = arith.addf %slice3A_36, %slice3A_39 : vector<1000x128xf32>
    %logistic3A_48 = arith.negf %add3A_47 : vector<1000x128xf32>
    %logistic3A_49 = math.exp %logistic3A_48 : vector<1000x128xf32>
    %logistic3A_50 = arith.constant 1.000000e+00 : f32
    %logistic3A_51 = vector.broadcast %logistic3A_50 : f32 to vector<1000x128xf32>
    %logistic3A_52 = arith.addf %logistic3A_51, %logistic3A_49 : vector<1000x128xf32>
    %logistic3A_53 = arith.divf %logistic3A_51, %logistic3A_52 : vector<1000x128xf32>
    %mul3A = arith.mulf %logistic3A_46, %slice3A_40 : vector<1000x128xf32>
    %add3A_54 = arith.addf %slice3A_37, %mul3A : vector<1000x128xf32>
    %tanh3A = math.tanh %add3A_54 : vector<1000x128xf32>
    %sub3A = arith.constant 1.000000e+00 : f32
    %sub3A_55 = vector.broadcast %sub3A : f32 to vector<1000x128xf32>
    %sub3A_56 = arith.subf %sub3A_55, %logistic3A_53 : vector<1000x128xf32>
    %mul3A_57 = arith.mulf %sub3A_56, %tanh3A : vector<1000x128xf32>
    %get3A_58 = arith.constant 0 : index
    %get3A_59 = arith.constant 0 : index
    %get3A_60 = vector.load %arg2[%get3A_58, %get3A_59] : memref<1000x128xf32, #tpu.memory_space<vmem>>, vector<1000x128xf32>
    %mul3A_61 = arith.mulf %logistic3A_53, %get3A_60 : vector<1000x128xf32>
    %add3A_62 = arith.addf %mul3A_57, %mul3A_61 : vector<1000x128xf32>
    %swap3A = arith.constant 0 : index
    %swap3A_63 = arith.constant 0 : index
    %swap3A_64 = vector.load %arg8[%swap3A, %swap3A_63] : memref<1000x128xf32, #tpu.memory_space<vmem>>, vector<1000x128xf32>
    tpu.vector_store %arg8[%swap3A, %swap3A_63], %add3A_62 {strides = array<i32>} : memref<1000x128xf32, #tpu.memory_space<vmem>>, vector<1000x128xf32>,
    return
  }
  func.func @transform_0(%arg0: i32) -> (i32, i32, i32) {
    %c0_i32 = arith.constant 0 : i32
    %c0_i32_0 = arith.constant 0 : i32
    %c0_i32_1 = arith.constant 0 : i32
    return %c0_i32, %arg0, %c0_i32_0 : i32, i32, i32
  }
  func.func @transform_1(%arg0: i32) -> (i32, i32) {
    %c0_i32 = arith.constant 0 : i32
    %c0_i32_0 = arith.constant 0 : i32
    return %arg0, %c0_i32 : i32, i32
  }
  func.func @transform_2(%arg0: i32) -> (i32, i32) {
    %c0_i32 = arith.constant 0 : i32
    %c0_i32_0 = arith.constant 0 : i32
    %c0_i32_1 = arith.constant 0 : i32
    return %c0_i32, %c0_i32_0 : i32, i32
  }
  func.func @transform_3(%arg0: i32) -> (i32, i32) {
    %c0_i32 = arith.constant 0 : i32
    %c0_i32_0 = arith.constant 0 : i32
    %c0_i32_1 = arith.constant 0 : i32
    return %c0_i32, %c0_i32_0 : i32, i32
  }
  func.func @transform_4(%arg0: i32) -> (i32, i32) {
    %c0_i32 = arith.constant 0 : i32
    %c0_i32_0 = arith.constant 0 : i32
    %c0_i32_1 = arith.constant 0 : i32
    return %c0_i32, %c0_i32_0 : i32, i32
  }
  func.func @transform_5(%arg0: i32) -> (i32, i32) {
    %c0_i32 = arith.constant 0 : i32
    %c0_i32_0 = arith.constant 0 : i32
    %c0_i32_1 = arith.constant 0 : i32
    return %c0_i32, %c0_i32_0 : i32, i32
  }
  func.func @transform_6(%arg0: i32) -> (i32, i32) {
    %c0_i32 = arith.constant 0 : i32
    %c0_i32_0 = arith.constant 0 : i32
    %c0_i32_1 = arith.constant 0 : i32
    return %c0_i32, %c0_i32_0 : i32, i32
  }
  func.func @transform_7(%arg0: i32) -> (i32, i32) {
    %c0_i32 = arith.constant 0 : i32
    %c0_i32_0 = arith.constant 0 : i32
    return %arg0, %c0_i32 : i32, i32
  }
}

module attributes {stable_mosaic.version = 14 : i64} {
  func.func @_final_body(%arg0: memref<10000x128xf32, #tpu.memory_space<vmem>>, %arg1: memref<128x128xf32, #tpu.memory_space<vmem>>, %arg2: memref<1x128xf32, #tpu.memory_space<vmem>>, %arg3: memref<1x128xf32, #tpu.memory_space<vmem>>, %arg4: memref<1x128xf32, #tpu.memory_space<vmem>>) attributes {dimension_semantics = [], scalar_prefetch = 0 : i64, scratch_operands = 0 : i64, tpu.core_type = #tpu.core_type<tc>} {
    %get3A = arith.constant 0 : index
    %get3A_0 = arith.constant 0 : index
    %get3A_1 = vector.load %arg0[%get3A, %get3A_0] : memref<10000x128xf32, #tpu.memory_space<vmem>>, vector<10000x128xf32>
    %max3A = arith.constant 0.000000e+00 : f32
    %max3A_2 = vector.broadcast %max3A : f32 to vector<10000x128xf32>
    %max3A_3 = arith.maximumf %get3A_1, %max3A_2 : vector<10000x128xf32>
    %get3A_4 = arith.constant 0 : index
    %get3A_5 = arith.constant 0 : index
    %get3A_6 = vector.load %arg1[%get3A_4, %get3A_5] : memref<128x128xf32, #tpu.memory_space<vmem>>, vector<128x128xf32>
    %dot_general3A = arith.constant dense<0.000000e+00> : vector<10000x128xf32>
    %dot_general3A_7 = tpu.matmul %max3A_3, %get3A_6, %dot_general3A {dimension_numbers = #tpu.dot_dimension_numbers<[1], [1], [0], [0], [0, 0, 1, 0], [], []>, transpose_lhs_hint = false} : vector<10000x128xf32>, vector<128x128xf32>, vector<10000x128xf32> -> vector<10000x128xf32>
    %get3A_8 = arith.constant 0 : index
    %get3A_9 = arith.constant 0 : index
    %get3A_10 = vector.load %arg2[%get3A_8, %get3A_9] : memref<1x128xf32, #tpu.memory_space<vmem>>, vector<1x128xf32>
    %add3A = vector.broadcast %get3A_10 : vector<1x128xf32> to vector<10000x128xf32>
    %add3A_11 = arith.addf %dot_general3A_7, %add3A : vector<10000x128xf32>
    %get3A_12 = arith.constant 0 : index
    %get3A_13 = arith.constant 0 : index
    %get3A_14 = vector.load %arg3[%get3A_12, %get3A_13] : memref<1x128xf32, #tpu.memory_space<vmem>>, vector<1x128xf32>
    %dot_general3A_15 = arith.constant dense<0.000000e+00> : vector<10000x1xf32>
    %dot_general3A_16 = tpu.matmul %add3A_11, %get3A_14, %dot_general3A_15 {dimension_numbers = #tpu.dot_dimension_numbers<[1], [1], [0], [0], [0, 0, 1, 0], [], []>, transpose_lhs_hint = false} : vector<10000x128xf32>, vector<1x128xf32>, vector<10000x1xf32> -> vector<10000x1xf32>
    %reduce_max3A = vector.shape_cast %dot_general3A_16 : vector<10000x1xf32> to vector<1x10000x1xf32>
    %reduce_max3A_17 = arith.constant dense<0xFF800000> : vector<1xf32>
    %reduce_max3A_18 = vector.multi_reduction <maximumf>, %reduce_max3A, %reduce_max3A_17 [1, 2] : vector<1x10000x1xf32> to vector<1xf32>
    %reduce_max3A_19 = vector.shape_cast %reduce_max3A_18 : vector<1xf32> to vector<1x1x1xf32>
    %reduce_max3A_20 = vector.extract %reduce_max3A_19[0, 0, 0] : f32 from vector<1x1x1xf32>
    %sub3A = vector.broadcast %reduce_max3A_20 : f32 to vector<10000x1xf32>
    %sub3A_21 = arith.subf %dot_general3A_16, %sub3A : vector<10000x1xf32>
    %exp3A = math.exp %sub3A_21 : vector<10000x1xf32>
    %reduce_sum3A = vector.shape_cast %exp3A : vector<10000x1xf32> to vector<1x10000x1xf32>
    %reduce_sum3A_22 = arith.constant dense<0.000000e+00> : vector<1xf32>
    %reduce_sum3A_23 = vector.multi_reduction <add>, %reduce_sum3A, %reduce_sum3A_22 [1, 2] : vector<1x10000x1xf32> to vector<1xf32>
    %reduce_sum3A_24 = vector.shape_cast %reduce_sum3A_23 : vector<1xf32> to vector<1x1x1xf32>
    %reduce_sum3A_25 = vector.extract %reduce_sum3A_24[0, 0, 0] : f32 from vector<1x1x1xf32>
    %mul3A = vector.broadcast %exp3A : vector<10000x1xf32> to vector<10000x128xf32>
    %mul3A_26 = arith.mulf %mul3A, %add3A_11 : vector<10000x128xf32>
    %reduce_sum3A_27 = arith.constant dense<0.000000e+00> : vector<128xf32>
    %reduce_sum3A_28 = vector.multi_reduction <add>, %mul3A_26, %reduce_sum3A_27 [0] : vector<10000x128xf32> to vector<128xf32>
    %broadcast_in_dim3A = vector.shape_cast %reduce_sum3A_28 : vector<128xf32> to vector<1x128xf32>
    %div3A = vector.broadcast %reduce_sum3A_25 : f32 to vector<1x128xf32>
    %div3A_29 = arith.divf %broadcast_in_dim3A, %div3A : vector<1x128xf32>
    %swap3A = arith.constant 0 : index
    %swap3A_30 = arith.constant 0 : index
    %swap3A_31 = vector.load %arg4[%swap3A, %swap3A_30] : memref<1x128xf32, #tpu.memory_space<vmem>>, vector<1x128xf32>
    tpu.vector_store %arg4[%swap3A, %swap3A_30], %div3A_29 {strides = array<i32>} : memref<1x128xf32, #tpu.memory_space<vmem>>, vector<1x128xf32>,
    return
  }
}

</mosaic_0001>

<sc_bundles>
// kernel: kernel.10.cloned.1.call-start
scs
__scs_entry_jumppad:
0x0: {  	(pc) =	sbr.rel $0x88, $3  }
0x1: {  	(tag) =	ssettag $0x0;
	lr =	simm.s32 $0x1  }
0x2: {  	[smem:$0x3F97] =	sst lr;
	_ =	strace $0xD0000000  }
0x3: {  	_ = 	snop  }
0x4: {  	_ = 	snop  }
0x5: {  	_ = 	snop  }
0x6: {  	_ = 	snop  }
0x7: {  	_ = 	snop  }
__scs_overlays_trampoline_lowered:
0x8: {  	[smem:$0x3FA6] =	sst s0  }
0x9: {  	[smem:$0x3FA7] =	sst s1  }
0xa: {  	[smem:$0x3FA8] =	sst s2  }
0xb: {  	[smem:$0x3FA9] =	sst s3  }
0xc: {  	[smem:$0x3FAA] =	sst s4  }
0xd: {  	[smem:$0x3FAB] =	sst s5  }
0xe: {  	[smem:$0x3FAC] =	sst s6  }
0xf: {  	[smem:$0x3FAD] =	sst s7  }
0x10: {  	[smem:$0x3FAE] =	sst s8  }
0x11: {  	[smem:$0x3FAF] =	sst s9;
	s0 =	simm.s32 @!p0 $0x0  }
0x12: {  	s1 =	sld [smem:$0x3F95];
	s0 =	simm.s32 @p0 $0x1  }
0x13: {  	[smem:$0x3FB0] =	sst s0;
	s0 =	simm.s32 @!p1 $0x0  }
0x14: {  	s2 =	sld [smem:$0x3F94];
	s0 =	simm.s32 @p1 $0x1  }
0x15: {  	[smem:$0x3FB1] =	sst s0;
	s0 =	simm.s32 @!p2 $0x0  }
0x16: {  	s3 =	sld [smem:$0x3FDB];
	s0 =	simm.s32 @p2 $0x1  }
0x17: {  	s4 =	simm.s32 $0x1BF5;
	[smem:$0x3FB3] =	sst s0  }
0x18: {  	s0 =	sld [smem:$0x3F96];
	_ =	swait.ge [sflag:s4], $0x0  }
0x19: {  	s7 =	sld [smem:$0x3F97]  }
0x1a: {  	s8 =	sadd.s32 $0xFFFFE003, lr  }
0x1b: {  	s9 =	sadd.s32 $0xFFFFFEF7, lr;
	s5 =	simm.s32 $0xFFFFFFFF;
	p2 =	slt.u32 s8, $0xFFFFF086  }
0x1c: {  	p1 =	slt.u32 s9, $0xF7A;
	s5 =	simm.s32 @!p2 $0x0  }
0x1d: {  	s5 =	simm.s32 @p1 $0x1;
	p0 =	seq.s32 s7, s2  }
0x1e: {  	s7 =	smul.u32 @!p0 $0xF7A, s2;
	p2 =	seq.s32 @!p0 s5, $0x0  }
0x1f: {  	s9 =	smul.u32 $0xF7A, s1;
	s8 =	simm.s32 @!p0 $0x1BF5;
	p2 =	por !p2, p0  }
0x20: {  	[sflag:s8] =	ssyncset.s32 @!p0 $0xFFFFF086;
	s6 =	sadd.s32 @!p0 s3, s7;
	s7 =	simm.s32 @!p0 $0x108  }
0x21: {  	s3 =	sadd.s32 s3, s9;
	s6 =	sadd.s32 @!p0 $0x88, s6;
	s7 =	simm.s32 @p2 $0x1082  }
0x22: {  	[simem:s7], [sflag:s8] =	dma.local @!p0 [hbm:s6], $0xF7A  }
0x23: {  	s9 =	sor.u32 $0xD0000000, s2;
	s6 =	simm.s32 $0x108;
	_ =	swait.ge @!p0 [sflag:s8], $0x0  }
0x24: {  	s3 =	sadd.s32 $0x88, s3;
	s6 =	simm.s32 @!p1 $0x1082;
	[sflag:s4] =	ssyncset.s32 $0xFFFFF086  }
0x25: {  	[simem:s6], [sflag:s4] =	dma.local [hbm:s3], $0xF7A  }
0x26: {  	[smem:$0x3F97] =	sst s1;
	(tag) =	ssettag s2;
	_ =	strace s9  }
0x27: {  	s1 =	sld [smem:$0x3FA7]  }
0x28: {  	s2 =	sld [smem:$0x3FA8]  }
0x29: {  	s4 =	sld [smem:$0x3FAA]  }
0x2a: {  	p0 =	seq.s32 s5, $0x0;
	s5 =	sld [smem:$0x3FAB]  }
0x2b: {  	s6 =	sld [smem:$0x3FAC]  }
0x2c: {  	s7 =	sld [smem:$0x3FAD]  }
0x2d: {  	s3 =	simm.s32 $0x108;
	s8 =	sld [smem:$0x3FAE]  }
0x2e: {  	s3 =	simm.s32 @!p0 $0x1082;
	s9 =	sld [smem:$0x3FAF]  }
0x2f: {  	lr =	sadd.s32 s0, s3;
	s0 =	sld [smem:$0x3FA6]  }
0x30: {  	s3 =	sld [smem:$0x3FA9]  }
0x31: {  	[smem:$0x3FB2] =	sst s10  }
0x32: {  	s10 =	sld [smem:$0x3FB0];
	_ =	sdelay $0x3  }
0x33: {  	p0 =	seq.s32 s10, $0x1;
	s10 =	sld [smem:$0x3FB2];
	_ =	sdelay $0x3  }
0x34: {  	[smem:$0x3FB2] =	sst s10  }
0x35: {  	s10 =	sld [smem:$0x3FB1];
	_ =	sdelay $0x3  }
0x36: {  	p1 =	seq.s32 s10, $0x1;
	s10 =	sld [smem:$0x3FB2];
	_ =	sdelay $0x3  }
0x37: {  	[smem:$0x3FB2] =	sst s10  }
0x38: {  	s10 =	sld [smem:$0x3FB3]  }
0x39: {  	_ = 	snop;
	(pc) =	sbr.ind lr, $3  }
0x3a: {  	_ = 	snop  }
0x3b: {  	_ = 	snop  }
0x3c: {  	p2 =	seq.s32 s10, $0x1;
	s10 =	sld [smem:$0x3FB2]  }
0x3d: {  	_ =	shalt  }
0x3e: {  	_ =	shalt  }
0x3f: {  	_ =	shalt  }
0x40: {  	_ =	shalt  }
0x41: {  	_ =	shalt  }
0x42: {  	_ =	shalt  }
0x43: {  	_ =	shalt  }
0x44: {  	_ =	shalt  }
0x45: {  	_ =	shalt  }
0x46: {  	_ =	shalt  }
0x47: {  	_ =	shalt  }
0x48: {  	_ =	shalt  }
0x49: {  	_ =	shalt  }
0x4a: {  	_ =	shalt  }
0x4b: {  	_ =	shalt  }
0x4c: {  	_ =	shalt  }
0x4d: {  	_ =	shalt  }
0x4e: {  	_ =	shalt  }
0x4f: {  	_ =	shalt  }
0x50: {  	_ =	shalt  }
0x51: {  	_ =	shalt  }
0x52: {  	_ =	shalt  }
0x53: {  	_ =	shalt  }
0x54: {  	_ =	shalt  }
0x55: {  	_ =	shalt  }
0x56: {  	_ =	shalt  }
0x57: {  	_ =	shalt  }
0x58: {  	_ =	shalt  }
0x59: {  	_ =	shalt  }
0x5a: {  	_ =	shalt  }
0x5b: {  	_ =	shalt  }
0x5c: {  	_ =	shalt  }
0x5d: {  	_ =	shalt  }
0x5e: {  	_ =	shalt  }
0x5f: {  	_ =	shalt  }
0x60: {  	_ =	shalt  }
0x61: {  	_ =	shalt  }
0x62: {  	_ =	shalt  }
0x63: {  	_ =	shalt  }
0x64: {  	_ =	shalt  }
0x65: {  	_ =	shalt  }
0x66: {  	_ =	shalt  }
0x67: {  	_ =	shalt  }
0x68: {  	_ =	shalt  }
0x69: {  	_ =	shalt  }
0x6a: {  	_ =	shalt  }
0x6b: {  	_ =	shalt  }
0x6c: {  	_ =	shalt  }
0x6d: {  	_ =	shalt  }
0x6e: {  	_ =	shalt  }
0x6f: {  	_ =	shalt  }
0x70: {  	_ =	shalt  }
0x71: {  	_ =	shalt  }
0x72: {  	_ =	shalt  }
0x73: {  	_ =	shalt  }
0x74: {  	_ =	shalt  }
0x75: {  	_ =	shalt  }
0x76: {  	_ =	shalt  }
0x77: {  	_ =	shalt  }
0x78: {  	_ =	shalt  }
0x79: {  	_ =	shalt  }
0x7a: {  	_ =	shalt  }
0x7b: {  	_ =	shalt  }
0x7c: {  	_ =	shalt  }
0x7d: {  	_ =	shalt  }
0x7e: {  	_ =	shalt  }
0x7f: {  	_ =	shalt  }
0x80: {  	_ =	shalt  }
0x81: {  	_ =	shalt  }
0x82: {  	_ =	shalt  }
0x83: {  	_ =	shalt  }
0x84: {  	_ =	shalt  }
0x85: {  	_ =	shalt  }
0x86: {  	_ =	shalt  }
0x87: {  	_ =	shalt  }
.Lfunc_end0:
.L_simem_size_0:
called_computation.1_lowered:
.L_overlay_start_0:
0x88: {  	s2 =	sld [smem:$0x3FD9]  }
0x89: {  	s3 =	sld [smem:$0x3FFE];
	_ =	sdelay $0x1  }
0x8a: {  	s1 =	srdreg.scid  }
0x8b: {  	s0 =	sand.u32 $0x1, s1  }
0x8c: {  	s16 =	sshll.u32 s0, $0xA;
	s2 =	sadd.s32 s3, s2  }
0x8d: {  	s2 =	sadd.s32 s2, s16  }
0x8e: {  	[smem:$0x3FBE] =	sst s2  }
0x8f: {  	_ = 	snop  }
0x90: {  	(tm) =	ssettm $0x1  }
0x91: {  	s17 =	sld [smem:$0x3FFB];
	_ =	sdelay $0x3  }
0x92: {  	_ =	strace s17  }
0x93: {  	s2 =	sld [smem:$0x3FFC];
	_ =	sdelay $0x3  }
0x94: {  	_ =	strace s2  }
0x95: {  	s2 =	sld [smem:$0x3FFD];
	_ =	sdelay $0x3  }
0x96: {  	_ =	strace s2  }
0x97: {  	_ =	strace $0x8FFFFFFF  }
0x98: {  	s18 =	sld [smem:$0x3FDB];
	_ =	sdelay $0x1  }
0x99: {  	s19 =	simm.s32 $_scs_section_size  }
0x9a: {  	s4 =	simm.s32 $_size__tile_overlayer_lowered;
	s5 =	simm.s32 $_tile_overlayer_lowered  }
0x9b: {  	s22 =	simm.s32 $0x1BFF;
	s21 =	sshll.u32 s5, $0x1;
	s2 =	sadd.s32 s19, s18  }
0x9c: {  	s6 =	simm.s32 $0x0;
	s20 =	sshll.u32 s4, $0x1;
	s4 =	sadd.s32 s21, s2  }
0x9d: {  	[timem:s6], [sflag:s22] =	dma.local [hbm:s4], s20  }
0x9e: {  	_ =	swait.ge [sflag:s22], s20  }
0x9f: {  	s3 =	ssub.s32 $0x0, s20;
	[sflag:s22] =	ssyncset.done $0x0  }
0xa0: {  	[sflag:s22] =	ssyncadd.s32 s3;
	_ =	sdelay $0x1  }
0xa1: {  	s23 =	simm.s32 $0x1B8B  }
0xa2: {  	_ =	swait.ge [sflag:s23], $0x1  }
0xa3: {  	[sflag:s23] =	ssyncset.done $0x0  }
0xa4: {  	s25 =	simm.s32 $0x1B8E;
	s24 =	sld [smem:$0x3FFE];
	[sflag:s23] =	ssyncadd.s32 $0xFFFFFFFF  }
0xa5: {  	s26 =	simm.s32 $execute0_lowered;
	[smem:$0x3FD2] =	sst s25  }
0xa6: {  	s4 =	sshll.u32 s26, $0x1;
	_ =	strace $0x80000049;
	[dreg:$0x1] =	wrdreg $0xFFFFFFFF  }
0xa7: {  	s28 =	simm.s32 $_size_execute0_lowered;
	s2 =	sadd.s32 s2, s4;
	[dreg:$0x0] =	wrdreg $0x0  }
0xa8: {  	s4 =	sshll.u32 s28, $0x1;
	[dreg:$0x2] =	wrdreg s2  }
0xa9: {  	[dreg:$0x3] =	wrdreg s4  }
0xaa: {  	[dreg:$0x4] =	wrdreg $0xC0  }
0xab: {  	_ =	task [dreg:s6], $0x5FFFF  }
0xac: {  	[dreg:$0x1] =	wrdreg $0xFFFFFFFF  }
0xad: {  	[dreg:$0x0] =	wrdreg $0x60  }
0xae: {  	[dreg:$0x2] =	wrdreg s24  }
0xaf: {  	[dreg:$0x3] =	wrdreg $0xB8000  }
0xb0: {  	[dreg:$0x4] =	wrdreg $0x9  }
0xb1: {  	_ =	task.clear_ibuf [dreg:s6], $0x5FFFF;
	_ =	strace $0x90000049  }
0xb2: {  	s29 =	simm.s32 $0x9;
	_ =	strace $0x8000004B  }
0xb3: {  	_ =	swait.ge [sflag:s29], $0x1  }
0xb4: {  	[sflag:s29] =	ssyncadd.s32 $0xFFFFFFFF  }
0xb5: {  	_ =	strace $0x9000004B  }
0xb6: {  	_ =	sfence  }
0xb7: {  	s30 =	sld [smem:$0x0];
	_ =	sdelay $0x2  }
0xb8: {  	s31 =	sshll.u32 s1, $0xD;
	s1 =	sshrl.u32 s1, $0x2  }
0xb9: {  	s3 =	sand.u32 $0x4000, s31;
	s1 =	sadd.s32 s1, s30  }
0xba: {  	s0 =	sor.u32 s3, s0;
	s1 =	sshll.u32 s1, $0x11  }
0xbb: {  	s0 =	sor.u32 s1, s0  }
0xbc: {  	s0 =	sadd.s32 $0x8F2B, s0  }
0xbd: {  	[sflag:s0] =	ssyncadd.remote.s32 $0x1  }
0xbe: {  	_ =	sfence.sel $0xFFFF  }
0xbf: {  	[dreg:$0x0] =	wrdreg $0xFFFFFFFF;
	(pc) =	sbr.abs _section_cstart, $3  }
0xc0: {  	[dreg:$0x1] =	wrdreg $0xFFFFFFFF  }
0xc1: {  	_ =	task.clear_ibuf [dreg:s6], $0x2FFFF;
	_ =	strace $0x9FFFFFFF  }
0xc2: {  	(tm) =	ssettm $0x7FFFFFFF  }
0xc3: {  	_ =	shalt  }
tec
execute0_lowered:
.L_overlay_start_1:
0x0: {  	(tag) =	ssettag $0x1  }
0x1: {  	s6 =	rddreg [dreg:$0x0]  }
0x2: {  	s1 =	rddreg [dreg:$0x1]  }
0x3: {  	s2 =	srdreg.scid;
	s0 =	rddreg [dreg:$0x2];
	s3 =	simm.s32 $0x0  }
0x4: {  	s18 =	simm.s32 $0x1;
	s19 =	simm.s32 $0x3C00;
	s20 =	simm.s32 $0x7800  }
0x5: {  	s21 =	simm.s32 $0x80;
	s5 =	sand.u32 $0x1, s2;
	s2 =	stileid.u32  }
0x6: {  	s24 =	simm.s32 $0x0;
	[smem:$0x7FF] =	sst s3;
	s7 =	smul.u32 $0x13C000, s5  }
0x7: {  	s4 =	sshll.u32 s5, $0x4;
	s8 =	smul.u32 $0x13C00, s2;
	_ =	strace $0x8000004A  }
0x8: {  	s30 =	ssub.s32 $0x2, s5;
	p0 =	seq.s32 s5, $0x0;
	s5 =	simm.s32 $0x73  }
0x9: {  	s11 =	smul.u32 $0x4F000, s2;
	s22 =	sshll.u32 s2, $0x6;
	s4 =	sor.u32 s2, s4  }
0xa: {  	s10 =	sshrl.u32 s30, $0x1;
	s5 =	simm.s32 @!p0 $0x2B;
	s22 =	sor.u32 $0x1C01, s22  }
0xb: {  	s9 =	smul.u32 $0x780, s4;
	s4 =	sadd.s32 $0x1FC00, s6;
	s7 =	sadd.s32 s8, s7  }
0xc: {  	s10 =	ssub.s32 s30, s10;
	s31 =	sshrl.u32 s11, $0x2;
	s7 =	sshrl.u32 s7, $0x3  }
0xd: {  	s10 =	smax.u32 s10, $0x1;
	s9 =	sadd.s32 s9, s6;
	s12 =	sadd.s32 s7, s6  }
0xe: {  	s6 =	sadd.s32 $0x1C00, s9;
	s7 =	sadd.s32 $0x10C00, s9;
	s9 =	sadd.s32 s31, s1  }
0xf: {  	s8 =	sadd.s32 $0x46E00, s12;
	s11 =	sadd.s32 $0x2780, s9;
	s12 =	sadd.s32 $0x4F00, s9  }
0x10: {  	s13 =	sadd.s32 $0x7680, s9;
	s14 =	sadd.s32 $0x9E00, s9;
	s15 =	sadd.s32 $0xC580, s9  }
0x11: {  	v0 =	vimm.f32 $0.0e+00;
	s16 =	sadd.s32 $0xED00, s9;
	s17 =	sadd.s32 $0x11480, s9;
	s23 =	sshrl.u32 s9, $0x3  }
.LBB2_1:
0x12: {  	[tilespmem:s3], [sflag:$0x1] =	stream.linear.gather [hbm4b:s6+s3], $0x3980, $0x38;
	[tilespmem:$0x1F400] =	vst v63  }
0x13: {  	_ =	swait.ge [sflag:s18], $0x3980  }
0x14: {  	[sflag:s18] =	ssyncset.done $0x0  }
0x15: {  	[sflag:s18] =	ssyncadd.s32 $0xFFFFC680  }
0x16: {  	[tilespmem:s19], [sflag:$0x1] =	stream.linear.gather [hbm4b:s7+s3], $0x3980, $0x38;
	[tilespmem:$0x1F400] =	vst v63  }
0x17: {  	_ =	swait.ge [sflag:s18], $0x3980  }
0x18: {  	[sflag:s18] =	ssyncset.done $0x0  }
0x19: {  	s25 =	simm.s32 $0x70;
	s26 =	simm.s32 $0x3C0;
	[sflag:s18] =	ssyncadd.s32 $0xFFFFC680  }
.LBB2_2:
0x1a: {  	p0 =	sne.s32 s26, $0x9DC0;
	[tilespmem:s25+$0x7800] =	vst v0  }
0x1b: {  	[tilespmem:s25+$0x7790] =	vst v0  }
0x1c: {  	[tilespmem:s25+$0x77A0] =	vst v0  }
.Ltmp0:
0x1d: {  	[tilespmem:s25+$0x77B0] =	vst v0;
	(pc) =	sbr.rel @p0 .LBB2_2-.Ltmp0, $4  }
0x1e: {  	[tilespmem:s25+$0x77C0] =	vst v0  }
0x1f: {  	[tilespmem:s25+$0x77D0] =	vst v0  }
0x20: {  	[tilespmem:s25+$0x77E0] =	vst v0  }
0x21: {  	[tilespmem:s25+$0x77F0] =	vst v0;
	s25 =	sshra.s32 s26, $0x2;
	s26 =	sadd.s32 $0x200, s26  }
0x22: {  	[tilespmem:s25+$0x7800] =	vst v0  }
0x23: {  	[tilespmem:s25+$0x7790] =	vst v0  }
0x24: {  	[tilespmem:s25+$0x77A0] =	vst v0  }
0x25: {  	[tilespmem:s25+$0x77B0] =	vst v0  }
0x26: {  	[tilespmem:s25+$0x77C0] =	vst v0  }
0x27: {  	[tilespmem:s25+$0x77D0] =	vst v0  }
0x28: {  	[tilespmem:s25+$0x77E0] =	vst v0  }
0x29: {  	[tilespmem:s25+$0x77F0] =	vst v0  }
0x2a: {  	[spmem:s9] =	stream.linear.scatter [tilespmem:s20], [sflag:$0x1], $0x2780, $0x38;
	[tilespmem:$0x1F400] =	vst v63  }
0x2b: {  	_ =	swait.ge [sflag:s18], $0x2780  }
0x2c: {  	[sflag:s18] =	ssyncset.done $0x0  }
0x2d: {  	[sflag:s18] =	ssyncadd.s32 $0xFFFFD880  }
0x2e: {  	[spmem:s11] =	stream.linear.scatter [tilespmem:s20], [sflag:$0x1], $0x2780, $0x38;
	[tilespmem:$0x1F400] =	vst v63  }
0x2f: {  	_ =	swait.ge [sflag:s18], $0x2780  }
0x30: {  	[sflag:s18] =	ssyncset.done $0x0  }
0x31: {  	[sflag:s18] =	ssyncadd.s32 $0xFFFFD880  }
0x32: {  	[spmem:s12] =	stream.linear.scatter [tilespmem:s20], [sflag:$0x1], $0x2780, $0x38;
	[tilespmem:$0x1F400] =	vst v63  }
0x33: {  	_ =	swait.ge [sflag:s18], $0x2780  }
0x34: {  	[sflag:s18] =	ssyncset.done $0x0  }
0x35: {  	[sflag:s18] =	ssyncadd.s32 $0xFFFFD880  }
0x36: {  	[spmem:s13] =	stream.linear.scatter [tilespmem:s20], [sflag:$0x1], $0x2780, $0x38;
	[tilespmem:$0x1F400] =	vst v63  }
0x37: {  	_ =	swait.ge [sflag:s18], $0x2780  }
0x38: {  	[sflag:s18] =	ssyncset.done $0x0  }
0x39: {  	[sflag:s18] =	ssyncadd.s32 $0xFFFFD880  }
0x3a: {  	[spmem:s14] =	stream.linear.scatter [tilespmem:s20], [sflag:$0x1], $0x2780, $0x38;
	[tilespmem:$0x1F400] =	vst v63  }
0x3b: {  	_ =	swait.ge [sflag:s18], $0x2780  }
0x3c: {  	[sflag:s18] =	ssyncset.done $0x0  }
0x3d: {  	[sflag:s18] =	ssyncadd.s32 $0xFFFFD880  }
0x3e: {  	[spmem:s15] =	stream.linear.scatter [tilespmem:s20], [sflag:$0x1], $0x2780, $0x38;
	[tilespmem:$0x1F400] =	vst v63  }
0x3f: {  	_ =	swait.ge [sflag:s18], $0x2780  }
0x40: {  	[sflag:s18] =	ssyncset.done $0x0  }
0x41: {  	[sflag:s18] =	ssyncadd.s32 $0xFFFFD880  }
0x42: {  	[spmem:s16] =	stream.linear.scatter [tilespmem:s20], [sflag:$0x1], $0x2780, $0x38;
	[tilespmem:$0x1F400] =	vst v63  }
0x43: {  	_ =	swait.ge [sflag:s18], $0x2780  }
0x44: {  	[sflag:s18] =	ssyncset.done $0x0  }
0x45: {  	[sflag:s18] =	ssyncadd.s32 $0xFFFFD880  }
0x46: {  	[spmem:s17] =	stream.linear.scatter [tilespmem:s20], [sflag:$0x1], $0x2780, $0x38;
	[tilespmem:$0x1F400] =	vst v63  }
0x47: {  	_ =	swait.ge [sflag:s18], $0x2780  }
0x48: {  	[sflag:s18] =	ssyncset.done $0x0  }
0x49: {  	[sflag:s18] =	ssyncadd.s32 $0xFFFFD880  }
0x4a: {  	s25 =	simm.s32 $0x0;
	[bflag:$0x0] =	sbarrier.arrive $0xFFFF  }
0x4b: {  	[tilespmem:s20], [sflag:$0x1] =	stream.indirect.gather [hbm4b:s4+s21], $0x80, s25, s21, $0xb8;
	[tilespmem:$0x1F400] =	vst v63  }
0x4c: {  	p0 =	sne.s32 s5, $0x1;
	_ =	swait.ge [sflag:s18], $0x4000  }
.Ltmp1:
0x4d: {  	[sflag:s18] =	ssyncset.done $0x0;
	(pc) =	sbr.rel @!p0 .LBB2_5-.Ltmp1, $4  }
0x4e: {  	s26 =	simm.s32 $0x3C00;
	[sflag:s18] =	ssyncadd.s32 $0xFFFFC000  }
0x4f: {  	[spmem:s1] =	stream.indirect.scatter.add.f32 [tilespmem:s20], [sflag:$0x1], $0x80, s26, s21, $0xb8;
	[tilespmem:$0x1F400] =	vst v63  }
0x50: {  	_ =	swait.ge [sflag:s18], $0x4000  }
0x51: {  	s28 =	sadd.s32 $0xFFFFFFFF, s5;
	[sflag:s18] =	ssyncset.done $0x0  }
.LBB2_4:
0x52: {  	[sflag:s18] =	ssyncadd.s32 $0xFFFFC000;
	s25 =	sadd.s32 $0x80, s25;
	s26 =	sadd.s32 $0x80, s26  }
0x53: {  	[tilespmem:s20], [sflag:$0x1] =	stream.indirect.gather [hbm4b:s4+s21], $0x80, s25, s21, $0xb8;
	[tilespmem:$0x1F400] =	vst v63  }
0x54: {  	p0 =	sne.s32 s28, $0x1;
	s28 =	sadd.s32 $0xFFFFFFFF, s28;
	_ =	swait.ge [sflag:s18], $0x4000  }
.Ltmp2:
0x55: {  	[sflag:s18] =	ssyncset.done $0x0;
	(pc) =	sbr.rel @p0 .LBB2_4-.Ltmp2, $4  }
0x56: {  	[sflag:s18] =	ssyncadd.s32 $0xFFFFC000  }
0x57: {  	[spmem:s1] =	stream.indirect.scatter.add.f32 [tilespmem:s20], [sflag:$0x1], $0x80, s26, s21, $0xb8;
	[tilespmem:$0x1F400] =	vst v63  }
0x58: {  	_ =	swait.ge [sflag:s18], $0x4000  }
0x59: {  	[sflag:s18] =	ssyncset.done $0x0  }
.LBB2_5:
0x5a: {  	s24 =	sadd.s32 $0x1, s24  }
0x5b: {  	[sflag:s18] =	ssyncadd.s32 $0xFFFFC000;
	p0 =	sne.s32 s24, s10  }
.Ltmp3:
0x5c: {  	[bflag:$0x0] =	sbarrier.arrive $0xFFFF;
	(pc) =	sbr.rel @p0 .LBB2_1-.Ltmp3, $4  }
0x5d: {  	[hbm:s8], [sflag:s22] =	dma.local [spmem:s23], $0x2780  }
0x5e: {  	_ =	swait.ge [sflag:s18], $0x2780  }
0x5f: {  	[sflag:s18] =	ssyncset.done $0x0  }
0x60: {  	[sflag:s18] =	ssyncadd.s32 $0xFFFFD880  }
0x61: {  	_ =	sfence.sel $0x180000  }
0x62: {  	[bflag:$0x0] =	sbarrier.arrive $0xFFFF  }
0x63: {  	p0 =	sne.s32 s2, $0x0;
	_ =	strace $0x9000004A  }
0x64: {  	s0 =	sadd.s32 @!p0 $0x100000, s0;
	[bflag:$0x2] =	sbarrier.arrive $0xFFFF  }
0x65: {  	[sflag:s0] =	ssyncadd.tile.s32 @!p0 $0x1;
	_ =	shalt  }
.Lfunc_end2:
_tile_overlayer_lowered:
.L_overlay_start_2:
0x66: {  	(tag) =	ssettag $0x2  }
0x67: {  	s0 =	rddreg [dreg:$0x0];
	s2 =	stileid.u32  }
0x68: {  	s1 =	rddreg [dreg:$0x1];
	p0 =	sne.s32 s2, $0x0  }
0x69: {  	s3 =	rddreg [dreg:$0x2];
	[bflag:$0x3] =	sbarrier.arrive $0xFFFF;
	s2 =	simm.s32 @!p0 $0x1C01  }
0x6a: {  	[timem:s3], [sflag:s2] =	dma.local @!p0 [hbm:s0], s1  }
0x6b: {  	s0 =	simm.s32 @!p0 $0x1  }
0x6c: {  	_ =	swait.ge @!p0 [sflag:s0], s1  }
0x6d: {  	s1 =	ssub.s32 @!p0 $0x0, s1;
	[sflag:s0] =	ssyncset.done @!p0 $0x0  }
0x6e: {  	[sflag:s0] =	ssyncadd.s32 @!p0 s1  }
0x6f: {  	[bflag:$0x3] =	sbarrier.arrive $0xFFFF  }
0x70: {  	_ =	shalt  }

// kernel: kernel.7.cloned.1.call-start
scs
__scs_entry_jumppad:
0x0: {  	(pc) =	sbr.rel $0x88, $3  }
0x1: {  	(tag) =	ssettag $0x0;
	lr =	simm.s32 $0x1  }
0x2: {  	[smem:$0x3F97] =	sst lr;
	_ =	strace $0xD0000000  }
0x3: {  	_ = 	snop  }
0x4: {  	_ = 	snop  }
0x5: {  	_ = 	snop  }
0x6: {  	_ = 	snop  }
0x7: {  	_ = 	snop  }
__scs_overlays_trampoline_lowered:
0x8: {  	[smem:$0x3FA6] =	sst s0  }
0x9: {  	[smem:$0x3FA7] =	sst s1  }
0xa: {  	[smem:$0x3FA8] =	sst s2  }
0xb: {  	[smem:$0x3FA9] =	sst s3  }
0xc: {  	[smem:$0x3FAA] =	sst s4  }
0xd: {  	[smem:$0x3FAB] =	sst s5  }
0xe: {  	[smem:$0x3FAC] =	sst s6  }
0xf: {  	[smem:$0x3FAD] =	sst s7  }
0x10: {  	[smem:$0x3FAE] =	sst s8  }
0x11: {  	[smem:$0x3FAF] =	sst s9;
	s0 =	simm.s32 @!p0 $0x0  }
0x12: {  	s1 =	sld [smem:$0x3F95];
	s0 =	simm.s32 @p0 $0x1  }
0x13: {  	[smem:$0x3FB0] =	sst s0;
	s0 =	simm.s32 @!p1 $0x0  }
0x14: {  	s2 =	sld [smem:$0x3F94];
	s0 =	simm.s32 @p1 $0x1  }
0x15: {  	[smem:$0x3FB1] =	sst s0;
	s0 =	simm.s32 @!p2 $0x0  }
0x16: {  	s3 =	sld [smem:$0x3FDB];
	s0 =	simm.s32 @p2 $0x1  }
0x17: {  	s4 =	simm.s32 $0x1BF5;
	[smem:$0x3FB3] =	sst s0  }
0x18: {  	s0 =	sld [smem:$0x3F96];
	_ =	swait.ge [sflag:s4], $0x0  }
0x19: {  	s7 =	sld [smem:$0x3F97]  }
0x1a: {  	s8 =	sadd.s32 $0xFFFFE003, lr  }
0x1b: {  	s9 =	sadd.s32 $0xFFFFFEF7, lr;
	s5 =	simm.s32 $0xFFFFFFFF;
	p2 =	slt.u32 s8, $0xFFFFF086  }
0x1c: {  	p1 =	slt.u32 s9, $0xF7A;
	s5 =	simm.s32 @!p2 $0x0  }
0x1d: {  	s5 =	simm.s32 @p1 $0x1;
	p0 =	seq.s32 s7, s2  }
0x1e: {  	s7 =	smul.u32 @!p0 $0xF7A, s2;
	p2 =	seq.s32 @!p0 s5, $0x0  }
0x1f: {  	s9 =	smul.u32 $0xF7A, s1;
	s8 =	simm.s32 @!p0 $0x1BF5;
	p2 =	por !p2, p0  }
0x20: {  	[sflag:s8] =	ssyncset.s32 @!p0 $0xFFFFF086;
	s6 =	sadd.s32 @!p0 s3, s7;
	s7 =	simm.s32 @!p0 $0x108  }
0x21: {  	s3 =	sadd.s32 s3, s9;
	s6 =	sadd.s32 @!p0 $0x88, s6;
	s7 =	simm.s32 @p2 $0x1082  }
0x22: {  	[simem:s7], [sflag:s8] =	dma.local @!p0 [hbm:s6], $0xF7A  }
0x23: {  	s9 =	sor.u32 $0xD0000000, s2;
	s6 =	simm.s32 $0x108;
	_ =	swait.ge @!p0 [sflag:s8], $0x0  }
0x24: {  	s3 =	sadd.s32 $0x88, s3;
	s6 =	simm.s32 @!p1 $0x1082;
	[sflag:s4] =	ssyncset.s32 $0xFFFFF086  }
0x25: {  	[simem:s6], [sflag:s4] =	dma.local [hbm:s3], $0xF7A  }
0x26: {  	[smem:$0x3F97] =	sst s1;
	(tag) =	ssettag s2;
	_ =	strace s9  }
0x27: {  	s1 =	sld [smem:$0x3FA7]  }
0x28: {  	s2 =	sld [smem:$0x3FA8]  }
0x29: {  	s4 =	sld [smem:$0x3FAA]  }
0x2a: {  	p0 =	seq.s32 s5, $0x0;
	s5 =	sld [smem:$0x3FAB]  }
0x2b: {  	s6 =	sld [smem:$0x3FAC]  }
0x2c: {  	s7 =	sld [smem:$0x3FAD]  }
0x2d: {  	s3 =	simm.s32 $0x108;
	s8 =	sld [smem:$0x3FAE]  }
0x2e: {  	s3 =	simm.s32 @!p0 $0x1082;
	s9 =	sld [smem:$0x3FAF]  }
0x2f: {  	lr =	sadd.s32 s0, s3;
	s0 =	sld [smem:$0x3FA6]  }
0x30: {  	s3 =	sld [smem:$0x3FA9]  }
0x31: {  	[smem:$0x3FB2] =	sst s10  }
0x32: {  	s10 =	sld [smem:$0x3FB0];
	_ =	sdelay $0x3  }
0x33: {  	p0 =	seq.s32 s10, $0x1;
	s10 =	sld [smem:$0x3FB2];
	_ =	sdelay $0x3  }
0x34: {  	[smem:$0x3FB2] =	sst s10  }
0x35: {  	s10 =	sld [smem:$0x3FB1];
	_ =	sdelay $0x3  }
0x36: {  	p1 =	seq.s32 s10, $0x1;
	s10 =	sld [smem:$0x3FB2];
	_ =	sdelay $0x3  }
0x37: {  	[smem:$0x3FB2] =	sst s10  }
0x38: {  	s10 =	sld [smem:$0x3FB3]  }
0x39: {  	_ = 	snop;
	(pc) =	sbr.ind lr, $3  }
0x3a: {  	_ = 	snop  }
0x3b: {  	_ = 	snop  }
0x3c: {  	p2 =	seq.s32 s10, $0x1;
	s10 =	sld [smem:$0x3FB2]  }
0x3d: {  	_ =	shalt  }
0x3e: {  	_ =	shalt  }
0x3f: {  	_ =	shalt  }
0x40: {  	_ =	shalt  }
0x41: {  	_ =	shalt  }
0x42: {  	_ =	shalt  }
0x43: {  	_ =	shalt  }
0x44: {  	_ =	shalt  }
0x45: {  	_ =	shalt  }
0x46: {  	_ =	shalt  }
0x47: {  	_ =	shalt  }
0x48: {  	_ =	shalt  }
0x49: {  	_ =	shalt  }
0x4a: {  	_ =	shalt  }
0x4b: {  	_ =	shalt  }
0x4c: {  	_ =	shalt  }
0x4d: {  	_ =	shalt  }
0x4e: {  	_ =	shalt  }
0x4f: {  	_ =	shalt  }
0x50: {  	_ =	shalt  }
0x51: {  	_ =	shalt  }
0x52: {  	_ =	shalt  }
0x53: {  	_ =	shalt  }
0x54: {  	_ =	shalt  }
0x55: {  	_ =	shalt  }
0x56: {  	_ =	shalt  }
0x57: {  	_ =	shalt  }
0x58: {  	_ =	shalt  }
0x59: {  	_ =	shalt  }
0x5a: {  	_ =	shalt  }
0x5b: {  	_ =	shalt  }
0x5c: {  	_ =	shalt  }
0x5d: {  	_ =	shalt  }
0x5e: {  	_ =	shalt  }
0x5f: {  	_ =	shalt  }
0x60: {  	_ =	shalt  }
0x61: {  	_ =	shalt  }
0x62: {  	_ =	shalt  }
0x63: {  	_ =	shalt  }
0x64: {  	_ =	shalt  }
0x65: {  	_ =	shalt  }
0x66: {  	_ =	shalt  }
0x67: {  	_ =	shalt  }
0x68: {  	_ =	shalt  }
0x69: {  	_ =	shalt  }
0x6a: {  	_ =	shalt  }
0x6b: {  	_ =	shalt  }
0x6c: {  	_ =	shalt  }
0x6d: {  	_ =	shalt  }
0x6e: {  	_ =	shalt  }
0x6f: {  	_ =	shalt  }
0x70: {  	_ =	shalt  }
0x71: {  	_ =	shalt  }
0x72: {  	_ =	shalt  }
0x73: {  	_ =	shalt  }
0x74: {  	_ =	shalt  }
0x75: {  	_ =	shalt  }
0x76: {  	_ =	shalt  }
0x77: {  	_ =	shalt  }
0x78: {  	_ =	shalt  }
0x79: {  	_ =	shalt  }
0x7a: {  	_ =	shalt  }
0x7b: {  	_ =	shalt  }
0x7c: {  	_ =	shalt  }
0x7d: {  	_ =	shalt  }
0x7e: {  	_ =	shalt  }
0x7f: {  	_ =	shalt  }
0x80: {  	_ =	shalt  }
0x81: {  	_ =	shalt  }
0x82: {  	_ =	shalt  }
0x83: {  	_ =	shalt  }
0x84: {  	_ =	shalt  }
0x85: {  	_ =	shalt  }
0x86: {  	_ =	shalt  }
0x87: {  	_ =	shalt  }
.Lfunc_end0:
.L_simem_size_0:
called_computation_lowered:
.L_overlay_start_0:
0x88: {  	s2 =	sld [smem:$0x3FD9]  }
0x89: {  	s3 =	sld [smem:$0x3FFE];
	_ =	sdelay $0x1  }
0x8a: {  	s1 =	srdreg.scid  }
0x8b: {  	s0 =	sand.u32 $0x1, s1  }
0x8c: {  	s17 =	sshll.u32 s0, $0xA;
	s2 =	sadd.s32 s3, s2  }
0x8d: {  	s2 =	sadd.s32 s2, s17  }
0x8e: {  	[smem:$0x3FBE] =	sst s2  }
0x8f: {  	_ = 	snop  }
0x90: {  	s2 =	sld [smem:$0x3FC9];
	(tm) =	ssettm $0x1  }
0x91: {  	s18 =	sld [smem:$0x3FFB];
	_ =	sdelay $0x3  }
0x92: {  	_ =	strace s18  }
0x93: {  	s3 =	sld [smem:$0x3FFC];
	_ =	sdelay $0x3  }
0x94: {  	_ =	strace s3  }
0x95: {  	s3 =	sld [smem:$0x3FFD];
	_ =	sdelay $0x3  }
0x96: {  	_ =	strace s3  }
0x97: {  	_ =	strace $0x8FFFFFFF  }
0x98: {  	s19 =	sld [smem:$0x3FDB];
	_ =	sdelay $0x1  }
0x99: {  	s4 =	simm.s32 $_scs_section_size  }
0x9a: {  	s5 =	simm.s32 $_size__tile_overlayer_lowered;
	s6 =	simm.s32 $_tile_overlayer_lowered  }
0x9b: {  	s22 =	simm.s32 $0x1BFF;
	s21 =	sshll.u32 s6, $0x1;
	s3 =	sadd.s32 s4, s19  }
0x9c: {  	s7 =	simm.s32 $0x0;
	s20 =	sshll.u32 s5, $0x1;
	s5 =	sadd.s32 s21, s3  }
0x9d: {  	[timem:s7], [sflag:s22] =	dma.local [hbm:s5], s20  }
0x9e: {  	_ =	swait.ge [sflag:s22], s20  }
0x9f: {  	s4 =	ssub.s32 $0x0, s20;
	[sflag:s22] =	ssyncset.done $0x0  }
0xa0: {  	[sflag:s22] =	ssyncadd.s32 s4;
	_ =	sdelay $0x1  }
0xa1: {  	s23 =	simm.s32 $0x1B8B  }
0xa2: {  	_ =	swait.ge [sflag:s23], $0x1  }
0xa3: {  	[sflag:s23] =	ssyncset.done $0x0  }
0xa4: {  	s25 =	simm.s32 $0x1B8E;
	s24 =	sld [smem:$0x3FFE];
	[sflag:s23] =	ssyncadd.s32 $0xFFFFFFFF  }
0xa5: {  	s26 =	simm.s32 $execute0_lowered;
	[smem:$0x3FD2] =	sst s25  }
0xa6: {  	s5 =	sshll.u32 s26, $0x1;
	_ =	strace $0x80000046;
	[dreg:$0x1] =	wrdreg $0xFFFFFFFF  }
0xa7: {  	s28 =	simm.s32 $_size_execute0_lowered;
	s3 =	sadd.s32 s3, s5;
	[dreg:$0x0] =	wrdreg $0x0  }
0xa8: {  	s5 =	sshll.u32 s28, $0x1;
	[dreg:$0x2] =	wrdreg s3  }
0xa9: {  	[dreg:$0x3] =	wrdreg s5  }
0xaa: {  	[dreg:$0x4] =	wrdreg $0xC0  }
0xab: {  	_ =	task [dreg:s7], $0x5FFFF  }
0xac: {  	[dreg:$0x1] =	wrdreg $0xFFFFFFFF  }
0xad: {  	[dreg:$0x0] =	wrdreg $0x60  }
0xae: {  	[dreg:$0x2] =	wrdreg s2  }
0xaf: {  	[dreg:$0x3] =	wrdreg s24  }
0xb0: {  	[dreg:$0x4] =	wrdreg $0xB8000  }
0xb1: {  	[dreg:$0x5] =	wrdreg $0x9  }
0xb2: {  	_ =	task.clear_ibuf [dreg:s7], $0x6FFFF;
	_ =	strace $0x90000046  }
0xb3: {  	s29 =	simm.s32 $0x9;
	_ =	strace $0x80000048  }
0xb4: {  	_ =	swait.ge [sflag:s29], $0x1  }
0xb5: {  	[sflag:s29] =	ssyncadd.s32 $0xFFFFFFFF  }
0xb6: {  	_ =	strace $0x90000048  }
0xb7: {  	_ =	sfence  }
0xb8: {  	s30 =	sld [smem:$0x0];
	_ =	sdelay $0x2  }
0xb9: {  	s31 =	sshll.u32 s1, $0xD;
	s1 =	sshrl.u32 s1, $0x2  }
0xba: {  	s3 =	sand.u32 $0x4000, s31;
	s1 =	sadd.s32 s1, s30  }
0xbb: {  	s0 =	sor.u32 s3, s0;
	s1 =	sshll.u32 s1, $0x11  }
0xbc: {  	s0 =	sor.u32 s1, s0  }
0xbd: {  	s0 =	sadd.s32 $0x8F2B, s0  }
0xbe: {  	[sflag:s0] =	ssyncadd.remote.s32 $0x1  }
0xbf: {  	_ =	sfence.sel $0xFFFF  }
0xc0: {  	[dreg:$0x0] =	wrdreg $0xFFFFFFFF;
	(pc) =	sbr.abs _section_cstart, $3  }
0xc1: {  	[dreg:$0x1] =	wrdreg $0xFFFFFFFF  }
0xc2: {  	_ =	task.clear_ibuf [dreg:s7], $0x2FFFF;
	_ =	strace $0x9FFFFFFF  }
0xc3: {  	(tm) =	ssettm $0x7FFFFFFF  }
tec
execute0_lowered:
.L_overlay_start_1:
0x0: {  	(tag) =	ssettag $0x1  }
0x1: {  	s1 =	rddreg [dreg:$0x0]  }
0x2: {  	s6 =	rddreg [dreg:$0x1]  }
0x3: {  	s3 =	rddreg [dreg:$0x2]  }
0x4: {  	s2 =	srdreg.scid;
	s0 =	rddreg [dreg:$0x3]  }
0x5: {  	s4 =	simm.s32 $0x0;
	s18 =	simm.s32 $0x1;
	s19 =	simm.s32 $0x3C00  }
0x6: {  	s20 =	simm.s32 $0x7800;
	s21 =	simm.s32 $0x80;
	s5 =	sand.u32 $0x1, s2  }
0x7: {  	s24 =	simm.s32 $0x0;
	s2 =	stileid.u32;
	s8 =	smul.u32 $0x13C000, s5  }
0x8: {  	[smem:$0x7FF] =	sst s4;
	s7 =	sshll.u32 s5, $0x4;
	s9 =	smul.u32 $0x13C00, s2  }
0x9: {  	_ =	strace $0x80000047;
	s30 =	ssub.s32 $0x2, s5;
	p0 =	seq.s32 s5, $0x0  }
0xa: {  	s5 =	simm.s32 $0x73;
	s11 =	smul.u32 $0x4F000, s2;
	s22 =	sshll.u32 s2, $0x6  }
0xb: {  	s7 =	sor.u32 s2, s7;
	s10 =	sshrl.u32 s30, $0x1;
	s5 =	simm.s32 @!p0 $0x2B  }
0xc: {  	s22 =	sor.u32 $0x1C01, s22;
	s7 =	smul.u32 $0x780, s7;
	s8 =	sadd.s32 s9, s8  }
0xd: {  	s10 =	ssub.s32 s30, s10;
	s31 =	sshrl.u32 s11, $0x2;
	s8 =	sshrl.u32 s8, $0x3  }
0xe: {  	s9 =	sadd.s32 s31, s3;
	s10 =	smax.u32 s10, $0x1;
	s7 =	sadd.s32 s7, s6  }
0xf: {  	s8 =	sadd.s32 s8, s6;
	s11 =	sadd.s32 $0x2780, s9;
	s12 =	sadd.s32 $0x4F00, s9  }
0x10: {  	s13 =	sadd.s32 $0x7680, s9;
	s14 =	sadd.s32 $0x9E00, s9;
	s15 =	sadd.s32 $0xC580, s9  }
0x11: {  	s16 =	sadd.s32 $0xED00, s9;
	s17 =	sadd.s32 $0x11480, s9;
	s23 =	sshrl.u32 s9, $0x3  }
0x12: {  	v0 =	vimm.f32 $0.0e+00;
	s6 =	sadd.s32 $0x1C00, s7;
	s7 =	sadd.s32 $0x10C00, s7;
	s8 =	sadd.s32 $0x1FC00, s8  }
.LBB2_1:
0x13: {  	[tilespmem:s4], [sflag:$0x1] =	stream.linear.gather [hbm4b:s6+s4], $0x3980, $0x38;
	[tilespmem:$0x1F400] =	vst v63  }
0x14: {  	_ =	swait.ge [sflag:s18], $0x3980  }
0x15: {  	[sflag:s18] =	ssyncset.done $0x0  }
0x16: {  	[sflag:s18] =	ssyncadd.s32 $0xFFFFC680  }
0x17: {  	[tilespmem:s19], [sflag:$0x1] =	stream.linear.gather [hbm4b:s7+s4], $0x3980, $0x38;
	[tilespmem:$0x1F400] =	vst v63  }
0x18: {  	_ =	swait.ge [sflag:s18], $0x3980  }
0x19: {  	[sflag:s18] =	ssyncset.done $0x0  }
0x1a: {  	s25 =	simm.s32 $0x70;
	s26 =	simm.s32 $0x3C0;
	[sflag:s18] =	ssyncadd.s32 $0xFFFFC680  }
.LBB2_2:
0x1b: {  	p0 =	sne.s32 s26, $0x9DC0;
	[tilespmem:s25+$0x7800] =	vst v0  }
0x1c: {  	[tilespmem:s25+$0x7790] =	vst v0  }
0x1d: {  	[tilespmem:s25+$0x77A0] =	vst v0  }
.Ltmp0:
0x1e: {  	[tilespmem:s25+$0x77B0] =	vst v0;
	(pc) =	sbr.rel @p0 .LBB2_2-.Ltmp0, $4  }
0x1f: {  	[tilespmem:s25+$0x77C0] =	vst v0  }
0x20: {  	[tilespmem:s25+$0x77D0] =	vst v0  }
0x21: {  	[tilespmem:s25+$0x77E0] =	vst v0  }
0x22: {  	[tilespmem:s25+$0x77F0] =	vst v0;
	s25 =	sshra.s32 s26, $0x2;
	s26 =	sadd.s32 $0x200, s26  }
0x23: {  	[tilespmem:s25+$0x7800] =	vst v0  }
0x24: {  	[tilespmem:s25+$0x7790] =	vst v0  }
0x25: {  	[tilespmem:s25+$0x77A0] =	vst v0  }
0x26: {  	[tilespmem:s25+$0x77B0] =	vst v0  }
0x27: {  	[tilespmem:s25+$0x77C0] =	vst v0  }
0x28: {  	[tilespmem:s25+$0x77D0] =	vst v0  }
0x29: {  	[tilespmem:s25+$0x77E0] =	vst v0  }
0x2a: {  	[tilespmem:s25+$0x77F0] =	vst v0  }
0x2b: {  	[spmem:s9] =	stream.linear.scatter [tilespmem:s20], [sflag:$0x1], $0x2780, $0x38;
	[tilespmem:$0x1F400] =	vst v63  }
0x2c: {  	_ =	swait.ge [sflag:s18], $0x2780  }
0x2d: {  	[sflag:s18] =	ssyncset.done $0x0  }
0x2e: {  	[sflag:s18] =	ssyncadd.s32 $0xFFFFD880  }
0x2f: {  	[spmem:s11] =	stream.linear.scatter [tilespmem:s20], [sflag:$0x1], $0x2780, $0x38;
	[tilespmem:$0x1F400] =	vst v63  }
0x30: {  	_ =	swait.ge [sflag:s18], $0x2780  }
0x31: {  	[sflag:s18] =	ssyncset.done $0x0  }
0x32: {  	[sflag:s18] =	ssyncadd.s32 $0xFFFFD880  }
0x33: {  	[spmem:s12] =	stream.linear.scatter [tilespmem:s20], [sflag:$0x1], $0x2780, $0x38;
	[tilespmem:$0x1F400] =	vst v63  }
0x34: {  	_ =	swait.ge [sflag:s18], $0x2780  }
0x35: {  	[sflag:s18] =	ssyncset.done $0x0  }
0x36: {  	[sflag:s18] =	ssyncadd.s32 $0xFFFFD880  }
0x37: {  	[spmem:s13] =	stream.linear.scatter [tilespmem:s20], [sflag:$0x1], $0x2780, $0x38;
	[tilespmem:$0x1F400] =	vst v63  }
0x38: {  	_ =	swait.ge [sflag:s18], $0x2780  }
0x39: {  	[sflag:s18] =	ssyncset.done $0x0  }
0x3a: {  	[sflag:s18] =	ssyncadd.s32 $0xFFFFD880  }
0x3b: {  	[spmem:s14] =	stream.linear.scatter [tilespmem:s20], [sflag:$0x1], $0x2780, $0x38;
	[tilespmem:$0x1F400] =	vst v63  }
0x3c: {  	_ =	swait.ge [sflag:s18], $0x2780  }
0x3d: {  	[sflag:s18] =	ssyncset.done $0x0  }
0x3e: {  	[sflag:s18] =	ssyncadd.s32 $0xFFFFD880  }
0x3f: {  	[spmem:s15] =	stream.linear.scatter [tilespmem:s20], [sflag:$0x1], $0x2780, $0x38;
	[tilespmem:$0x1F400] =	vst v63  }
0x40: {  	_ =	swait.ge [sflag:s18], $0x2780  }
0x41: {  	[sflag:s18] =	ssyncset.done $0x0  }
0x42: {  	[sflag:s18] =	ssyncadd.s32 $0xFFFFD880  }
0x43: {  	[spmem:s16] =	stream.linear.scatter [tilespmem:s20], [sflag:$0x1], $0x2780, $0x38;
	[tilespmem:$0x1F400] =	vst v63  }
0x44: {  	_ =	swait.ge [sflag:s18], $0x2780  }
0x45: {  	[sflag:s18] =	ssyncset.done $0x0  }
0x46: {  	[sflag:s18] =	ssyncadd.s32 $0xFFFFD880  }
0x47: {  	[spmem:s17] =	stream.linear.scatter [tilespmem:s20], [sflag:$0x1], $0x2780, $0x38;
	[tilespmem:$0x1F400] =	vst v63  }
0x48: {  	_ =	swait.ge [sflag:s18], $0x2780  }
0x49: {  	[sflag:s18] =	ssyncset.done $0x0  }
0x4a: {  	[sflag:s18] =	ssyncadd.s32 $0xFFFFD880  }
0x4b: {  	s25 =	simm.s32 $0x0;
	[bflag:$0x0] =	sbarrier.arrive $0xFFFF  }
0x4c: {  	[tilespmem:s20], [sflag:$0x1] =	stream.indirect.gather [hbm4b:s1+s21], $0x80, s25, s21, $0xb8;
	[tilespmem:$0x1F400] =	vst v63  }
0x4d: {  	p0 =	sne.s32 s5, $0x1;
	_ =	swait.ge [sflag:s18], $0x4000  }
.Ltmp1:
0x4e: {  	[sflag:s18] =	ssyncset.done $0x0;
	(pc) =	sbr.rel @!p0 .LBB2_5-.Ltmp1, $4  }
0x4f: {  	s26 =	simm.s32 $0x3C00;
	[sflag:s18] =	ssyncadd.s32 $0xFFFFC000  }
0x50: {  	[spmem:s3] =	stream.indirect.scatter.add.f32 [tilespmem:s20], [sflag:$0x1], $0x80, s26, s21, $0xb8;
	[tilespmem:$0x1F400] =	vst v63  }
0x51: {  	_ =	swait.ge [sflag:s18], $0x4000  }
0x52: {  	s28 =	sadd.s32 $0xFFFFFFFF, s5;
	[sflag:s18] =	ssyncset.done $0x0  }
.LBB2_4:
0x53: {  	[sflag:s18] =	ssyncadd.s32 $0xFFFFC000;
	s25 =	sadd.s32 $0x80, s25;
	s26 =	sadd.s32 $0x80, s26  }
0x54: {  	[tilespmem:s20], [sflag:$0x1] =	stream.indirect.gather [hbm4b:s1+s21], $0x80, s25, s21, $0xb8;
	[tilespmem:$0x1F400] =	vst v63  }
0x55: {  	p0 =	sne.s32 s28, $0x1;
	s28 =	sadd.s32 $0xFFFFFFFF, s28;
	_ =	swait.ge [sflag:s18], $0x4000  }
.Ltmp2:
0x56: {  	[sflag:s18] =	ssyncset.done $0x0;
	(pc) =	sbr.rel @p0 .LBB2_4-.Ltmp2, $4  }
0x57: {  	[sflag:s18] =	ssyncadd.s32 $0xFFFFC000  }
0x58: {  	[spmem:s3] =	stream.indirect.scatter.add.f32 [tilespmem:s20], [sflag:$0x1], $0x80, s26, s21, $0xb8;
	[tilespmem:$0x1F400] =	vst v63  }
0x59: {  	_ =	swait.ge [sflag:s18], $0x4000  }
0x5a: {  	[sflag:s18] =	ssyncset.done $0x0  }
.LBB2_5:
0x5b: {  	s24 =	sadd.s32 $0x1, s24  }
0x5c: {  	[sflag:s18] =	ssyncadd.s32 $0xFFFFC000;
	p0 =	sne.s32 s24, s10  }
.Ltmp3:
0x5d: {  	[bflag:$0x0] =	sbarrier.arrive $0xFFFF;
	(pc) =	sbr.rel @p0 .LBB2_1-.Ltmp3, $4  }
0x5e: {  	[hbm:s8], [sflag:s22] =	dma.local [spmem:s23], $0x2780  }
0x5f: {  	_ =	swait.ge [sflag:s18], $0x2780  }
0x60: {  	[sflag:s18] =	ssyncset.done $0x0  }
0x61: {  	[sflag:s18] =	ssyncadd.s32 $0xFFFFD880  }
0x62: {  	_ =	sfence.sel $0x180000  }
0x63: {  	[bflag:$0x0] =	sbarrier.arrive $0xFFFF  }
0x64: {  	p0 =	sne.s32 s2, $0x0;
	_ =	strace $0x90000047  }
0x65: {  	s0 =	sadd.s32 @!p0 $0x100000, s0;
	[bflag:$0x2] =	sbarrier.arrive $0xFFFF  }
0x66: {  	[sflag:s0] =	ssyncadd.tile.s32 @!p0 $0x1;
	_ =	shalt  }
.Lfunc_end2:
_tile_overlayer_lowered:
.L_overlay_start_2:
0x67: {  	(tag) =	ssettag $0x2  }
0x68: {  	s0 =	rddreg [dreg:$0x0];
	s2 =	stileid.u32  }
0x69: {  	s1 =	rddreg [dreg:$0x1];
	p0 =	sne.s32 s2, $0x0  }
0x6a: {  	s3 =	rddreg [dreg:$0x2];
	[bflag:$0x3] =	sbarrier.arrive $0xFFFF;
	s2 =	simm.s32 @!p0 $0x1C01  }
0x6b: {  	[timem:s3], [sflag:s2] =	dma.local @!p0 [hbm:s0], s1  }
0x6c: {  	s0 =	simm.s32 @!p0 $0x1  }
0x6d: {  	_ =	swait.ge @!p0 [sflag:s0], s1  }
0x6e: {  	s1 =	ssub.s32 @!p0 $0x0, s1;
	[sflag:s0] =	ssyncset.done @!p0 $0x0  }
0x6f: {  	[sflag:s0] =	ssyncadd.s32 @!p0 s1  }
0x70: {  	[bflag:$0x3] =	sbarrier.arrive $0xFFFF  }
0x71: {  	_ =	shalt  }

</sc_bundles>
